<compile_context>
chip_gen: v7x
topology: tpu7x:2x2x1
jax: 0.10.2.dev20260603
libtpu: 0.0.44.dev20260713+nightly
codegen_flags: <defaults>
</compile_context>

<pallas_src>
import functools

import jax
import jax.numpy as jnp
from jax import lax
from jax.experimental import pallas as pl
from jax.experimental.pallas import tpu as pltpu
from jax.experimental.pallas import tpu_sc as plsc

_LANE = 128
_PITCH = 129
_UNROLL = 8


@functools.cache
def _build(n_b, n_h, d):
    info = plsc.get_sparse_core_info()
    nc, ns = info.num_cores, info.num_subcores
    nw = nc * ns
    n_bt = n_b // _LANE
    n_units = n_h * n_bt
    upw = n_units // nw
    n_dt = d // 8
    nq = d // 16
    mesh = plsc.VectorSubcoreMesh(core_axis_name="c", subcore_axis_name="s")

    @functools.partial(
        pl.kernel,
        mesh=mesh,
        compiler_params=pltpu.CompilerParams(
            use_tc_tiling_on_sc=False, needs_layout_passes=False),
        out_type=jax.ShapeDtypeStruct((n_units * d, _LANE), jnp.float32),
        scratch_types=[
            pltpu.VMEM((upw, _LANE), jnp.int32),
            pltpu.VMEM((2, _LANE, d), jnp.float32),
            pltpu.VMEM((2, d, _PITCH), jnp.float32),
            pltpu.SemaphoreType.DMA,
            pltpu.SemaphoreType.DMA,
            pltpu.SemaphoreType.DMA,
            pltpu.SemaphoreType.DMA,
        ],
    )
    def gather_kernel(table_hbm, idx_hbm, out_hbm, idx_v, gbuf, tbuf,
                      sg0, sg1, so0, so1):
        semg = (sg0, sg1)
        semo = (so0, so1)
        wid = lax.axis_index("s") * nc + lax.axis_index("c")
        pltpu.sync_copy(idx_hbm.at[pl.ds(wid * upw, upw)], idx_v)
        k0 = wid * upw
        rowv = [lax.iota(jnp.int32, 16) + 16 * q for q in range(nq)]

        def fire(u, b):
            pltpu.make_async_copy(
                table_hbm.at[idx_v.at[u]], gbuf.at[b], semg[b]).start()

        for b in range(2):
            fire(b, b)

        bt_shift = n_bt.bit_length() - 1
        assert n_bt == 1 << bt_shift

        def unit(u, b):
            k = k0 + u
            h = lax.shift_right_logical(k, bt_shift)
            bt = k & (n_bt - 1)
            row0 = (h * (n_dt * n_bt) + bt) * 8
            pltpu.make_async_copy(
                table_hbm.at[idx_v.at[u]], gbuf.at[b], semg[b]).wait()

            @pl.when(u >= 2)
            def _():
                pltpu.make_async_copy(
                    tbuf.at[b].at[:, pl.ds(0, _LANE)],
                    out_hbm.at[pl.ds(0, d)], semo[b]).wait()

            @plsc.parallel_loop(0, _LANE, 1, unroll=_UNROLL)
            def trans(bl):
                bv = jnp.full((16,), bl, jnp.int32)
                for q in range(nq):
                    vec = gbuf.at[b][bl, pl.ds(q * 16, 16)]
                    plsc.store_scatter(tbuf.at[b], [rowv[q], bv], vec)
            for dt in range(n_dt):
                pltpu.make_async_copy(
                    tbuf.at[b].at[pl.ds(dt * 8, 8), pl.ds(0, _LANE)],
                    out_hbm.at[pl.ds(row0 + dt * (n_bt * 8), 8)],
                    semo[b]).start()

            @pl.when(u + 2 < upw)
            def _():
                fire(u + 2, b)

        def step(i, carry):
            for b in range(2):
                unit(i * 2 + b, b)
            return carry

        lax.fori_loop(0, upw // 2, step, None)
        for b in range(2):
            pltpu.make_async_copy(
                tbuf.at[b].at[:, pl.ds(0, _LANE)],
                out_hbm.at[pl.ds(0, d)], semo[b]).wait()

    return gather_kernel


def kernel(indices, in_embeddings):
    n_b, n_h = indices.shape
    _, d = in_embeddings.shape
    n_bt = n_b // _LANE
    idx = indices.T.reshape(n_h * n_bt, _LANE).astype(jnp.int32)
    out2 = _build(n_b, n_h, d)(in_embeddings, idx)
    out5 = out2.reshape(n_h, d // 8, n_bt, 8, _LANE)
    return out5.transpose(2, 4, 0, 1, 3).reshape(n_b, n_h, d)

# --- scband reference (transcript-rebuilt; emitter-appended) ---
"""Pipeline reference for scband-word2-vec-embeddings-16638703304750 (READ-ONLY COPY).

The authoritative reference and input builder live on the scoring server;
editing this copy changes nothing except your own understanding.
"""

import jax, jax.numpy as jnp
import numpy as np

VOCAB_SIZE = 1000000
EMBEDDING_DIM = 64
BATCH = 16384
HIST_LEN = 50


def setup_inputs(seed: int = 0) -> dict:
    key = jax.random.key(seed)
    k_idx, k_in = jax.random.split(key, 2)
    indices = jax.random.randint(k_idx, (BATCH, HIST_LEN), 0, VOCAB_SIZE, dtype=jnp.int64 if jax.config.jax_enable_x64 else jnp.int32)
    bound = 0.5 / EMBEDDING_DIM
    in_embeddings = jax.random.uniform(k_in, (VOCAB_SIZE, EMBEDDING_DIM), dtype=jnp.float32, minval=-bound, maxval=bound)
    return {"indices": indices, "in_embeddings": in_embeddings}


def reference(indices, in_embeddings):
    # Word2VecEmbeddings lookup: in_embeddings(indices)
    # gather rows of the input-embedding table
    out = jnp.take(in_embeddings, indices, axis=0)
    return out

if __name__ == "__main__":
    import jax
    _d = setup_inputs()
    print(jax.jit(kernel)(*tuple(_d.values())))

</pallas_src>

<mosaic_0001>
#map = affine_map<(d0, d1) -> (0, 0)>
module attributes {stable_mosaic.version = 14 : i64} {
  func.func @gather_kernel(%arg0: i32, %arg1: i32, %arg2: memref<1000000x64xf32, #tpu.memory_space<hbm>>, %arg3: memref<6400x128xi32, #tpu.memory_space<hbm>>, %arg4: memref<409600x128xf32, #tpu.memory_space<hbm>>, %arg5: memref<200x128xi32, #tpu.memory_space<vmem>>, %arg6: memref<2x128x64xf32, #tpu.memory_space<vmem>>, %arg7: memref<2x64x129xf32, #tpu.memory_space<vmem>>, %arg8: memref<!tpu.dma_semaphore, #tpu.memory_space<semaphore_mem>>, %arg9: memref<!tpu.dma_semaphore, #tpu.memory_space<semaphore_mem>>, %arg10: memref<!tpu.dma_semaphore, #tpu.memory_space<semaphore_mem>>, %arg11: memref<!tpu.dma_semaphore, #tpu.memory_space<semaphore_mem>>) attributes {dimension_semantics = [#tpu.dimension_semantics<core_parallel>, #tpu.dimension_semantics<subcore_parallel>], iteration_bounds = array<i64: 2, 16>, scalar_prefetch = 0 : i64, scratch_operands = 7 : i64, tpu.core_type = #tpu.core_type<sc_vector_subcore>, window_params = [{transform_indices = #map}, {transform_indices = #map}, {transform_indices = #map}]} {
    %mul3A = arith.constant 2 : i32
    %mul3A_0 = arith.muli %arg1, %mul3A : i32
    %add3A = arith.addi %mul3A_0, %arg0 : i32
    %mul3A_1 = arith.constant 200 : i32
    %mul3A_2 = arith.muli %add3A, %mul3A_1 : i32
    "tpu.region"() ({
      %run_scoped3A = tpu.sem_alloc : memref<!tpu.dma_semaphore, #tpu.memory_space<semaphore_mem>>
      %dma_start3A_88 = arith.constant 0 : i32
      %dma_start3A_89 = tpu.memref_slice %arg3[%mul3A_2, %dma_start3A_88] : memref<6400x128xi32, #tpu.memory_space<hbm>> -> memref<200x128xi32, #tpu.memory_space<hbm>>
      %dma_start3A_90 = arith.constant 0 : i32
      %dma_start3A_91 = tpu.memref_slice %arg3[%mul3A_2, %dma_start3A_90] : memref<6400x128xi32, #tpu.memory_space<hbm>> -> memref<200x128xi32, #tpu.memory_space<hbm>>
      tpu.enqueue_dma source(%dma_start3A_91 : memref<200x128xi32, #tpu.memory_space<hbm>>) target(%arg5 : memref<200x128xi32, #tpu.memory_space<vmem>>) target_semaphore(%run_scoped3A : memref<!tpu.dma_semaphore, #tpu.memory_space<semaphore_mem>>)
      %dma_wait3A_92 = arith.constant 0 : i32
      %dma_wait3A_93 = tpu.memref_slice %arg3[%mul3A_2, %dma_wait3A_92] : memref<6400x128xi32, #tpu.memory_space<hbm>> -> memref<200x128xi32, #tpu.memory_space<hbm>>
      %dma_wait3A_94 = arith.constant 0 : i32
      %dma_wait3A_95 = tpu.memref_slice %arg3[%mul3A_2, %dma_wait3A_94] : memref<6400x128xi32, #tpu.memory_space<hbm>> -> memref<200x128xi32, #tpu.memory_space<hbm>>
      tpu.wait_dma2 semaphore(%run_scoped3A : memref<!tpu.dma_semaphore, #tpu.memory_space<semaphore_mem>>) src(%dma_wait3A_95 : memref<200x128xi32, #tpu.memory_space<hbm>>) dst(%arg5 : memref<200x128xi32, #tpu.memory_space<vmem>>)
      tpu.yield
    }) : () -> ()
    %mul3A_3 = arith.constant 200 : i32
    %mul3A_4 = arith.muli %add3A, %mul3A_3 : i32
    %iota3A = tpu.iota {dimensions = array<i32: 0>} : vector<16xi32>
    %add3A_5 = arith.constant 0 : i32
    %add3A_6 = vector.broadcast %add3A_5 : i32 to vector<16xi32>
    %add3A_7 = arith.addi %iota3A, %add3A_6 : vector<16xi32>
    %iota3A_8 = tpu.iota {dimensions = array<i32: 0>} : vector<16xi32>
    %add3A_9 = arith.constant 16 : i32
    %add3A_10 = vector.broadcast %add3A_9 : i32 to vector<16xi32>
    %add3A_11 = arith.addi %iota3A_8, %add3A_10 : vector<16xi32>
    %iota3A_12 = tpu.iota {dimensions = array<i32: 0>} : vector<16xi32>
    %add3A_13 = arith.constant 32 : i32
    %add3A_14 = vector.broadcast %add3A_13 : i32 to vector<16xi32>
    %add3A_15 = arith.addi %iota3A_12, %add3A_14 : vector<16xi32>
    %iota3A_16 = tpu.iota {dimensions = array<i32: 0>} : vector<16xi32>
    %add3A_17 = arith.constant 48 : i32
    %add3A_18 = vector.broadcast %add3A_17 : i32 to vector<16xi32>
    %add3A_19 = arith.addi %iota3A_16, %add3A_18 : vector<16xi32>
    %dma_start3A = arith.constant 0 : i32
    %dma_start3A_20 = arith.constant 0 : i32
    %dma_start3A_21 = arith.constant 0 : i32
    %dma_start3A_22 = arith.constant 0 : i32
    %dma_start3A_23 = tpu.memref_slice %arg6[%dma_start3A_20, %dma_start3A_21, %dma_start3A_22] : memref<2x128x64xf32, #tpu.memory_space<vmem>> -> memref<1x128x64xf32, #tpu.memory_space<vmem>>
    %dma_start3A_24 = tpu.memref_squeeze %dma_start3A_23 : memref<1x128x64xf32, #tpu.memory_space<vmem>> -> memref<128x64xf32, #tpu.memory_space<vmem>>
    %dma_start3A_25 = arith.constant 0 : i32
    %dma_start3A_26 = tpu.memref_slice %arg5[%dma_start3A, %dma_start3A_25] : memref<200x128xi32, #tpu.memory_space<vmem>> -> memref<1x128xi32, #tpu.memory_space<vmem>>
    %dma_start3A_27 = tpu.memref_squeeze %dma_start3A_26 : memref<1x128xi32, #tpu.memory_space<vmem>> -> memref<128xi32, #tpu.memory_space<vmem>>
    %dma_start3A_28 = arith.constant 0 : i32
    %dma_start3A_29 = arith.constant 0 : i32
    %dma_start3A_30 = tpu.memref_slice %arg2[%dma_start3A_28, %dma_start3A_29] : memref<1000000x64xf32, #tpu.memory_space<hbm>> -> memref<1000000x64xf32, #tpu.memory_space<hbm>>
    tpu.enqueue_indirect_dma source(%dma_start3A_30 : memref<1000000x64xf32, #tpu.memory_space<hbm>>) target(%dma_start3A_24 : memref<128x64xf32, #tpu.memory_space<vmem>>) offsets(%dma_start3A_27 : memref<128xi32, #tpu.memory_space<vmem>>) semaphore(%arg8 : memref<!tpu.dma_semaphore, #tpu.memory_space<semaphore_mem>>)
    %dma_start3A_31 = arith.constant 1 : i32
    %dma_start3A_32 = arith.constant 1 : i32
    %dma_start3A_33 = arith.constant 0 : i32
    %dma_start3A_34 = arith.constant 0 : i32
    %dma_start3A_35 = tpu.memref_slice %arg6[%dma_start3A_32, %dma_start3A_33, %dma_start3A_34] : memref<2x128x64xf32, #tpu.memory_space<vmem>> -> memref<1x128x64xf32, #tpu.memory_space<vmem>>
    %dma_start3A_36 = tpu.memref_squeeze %dma_start3A_35 : memref<1x128x64xf32, #tpu.memory_space<vmem>> -> memref<128x64xf32, #tpu.memory_space<vmem>>
    %dma_start3A_37 = arith.constant 0 : i32
    %dma_start3A_38 = tpu.memref_slice %arg5[%dma_start3A_31, %dma_start3A_37] : memref<200x128xi32, #tpu.memory_space<vmem>> -> memref<1x128xi32, #tpu.memory_space<vmem>>
    %dma_start3A_39 = tpu.memref_squeeze %dma_start3A_38 : memref<1x128xi32, #tpu.memory_space<vmem>> -> memref<128xi32, #tpu.memory_space<vmem>>
    %dma_start3A_40 = arith.constant 0 : i32
    %dma_start3A_41 = arith.constant 0 : i32
    %dma_start3A_42 = tpu.memref_slice %arg2[%dma_start3A_40, %dma_start3A_41] : memref<1000000x64xf32, #tpu.memory_space<hbm>> -> memref<1000000x64xf32, #tpu.memory_space<hbm>>
    tpu.enqueue_indirect_dma source(%dma_start3A_42 : memref<1000000x64xf32, #tpu.memory_space<hbm>>) target(%dma_start3A_36 : memref<128x64xf32, #tpu.memory_space<vmem>>) offsets(%dma_start3A_39 : memref<128xi32, #tpu.memory_space<vmem>>) semaphore(%arg9 : memref<!tpu.dma_semaphore, #tpu.memory_space<semaphore_mem>>)
    %scan3A = arith.constant 0 : i32
    %scan3A_43 = arith.constant 100 : i32
    %scan3A_44 = arith.addi %scan3A, %scan3A_43 : i32
    %scan3A_45 = arith.constant 1 : i32
    scf.for %scan3A_88 = %scan3A to %scan3A_44 step %scan3A_45  : i32 {
      %mul3A_89 = arith.constant 2 : i32
      %mul3A_90 = arith.muli %scan3A_88, %mul3A_89 : i32
      %add3A_91 = arith.constant 0 : i32
      %add3A_92 = arith.addi %mul3A_90, %add3A_91 : i32
      %add3A_93 = arith.addi %mul3A_4, %add3A_92 : i32
      %shift_right_logical3A = arith.constant 7 : i32
      %shift_right_logical3A_94 = arith.shrui %add3A_93, %shift_right_logical3A : i32
      %and3A = arith.constant 127 : i32
      %and3A_95 = arith.andi %add3A_93, %and3A : i32
      %mul3A_96 = arith.constant 1024 : i32
      %mul3A_97 = arith.muli %shift_right_logical3A_94, %mul3A_96 : i32
      %add3A_98 = arith.addi %mul3A_97, %and3A_95 : i32
      %mul3A_99 = arith.constant 8 : i32
      %mul3A_100 = arith.muli %add3A_98, %mul3A_99 : i32
      %dma_wait3A_101 = arith.constant 0 : i32
      %dma_wait3A_102 = arith.constant 0 : i32
      %dma_wait3A_103 = arith.constant 0 : i32
      %dma_wait3A_104 = tpu.memref_slice %arg6[%dma_wait3A_101, %dma_wait3A_102, %dma_wait3A_103] : memref<2x128x64xf32, #tpu.memory_space<vmem>> -> memref<1x128x64xf32, #tpu.memory_space<vmem>>
      %dma_wait3A_105 = tpu.memref_squeeze %dma_wait3A_104 : memref<1x128x64xf32, #tpu.memory_space<vmem>> -> memref<128x64xf32, #tpu.memory_space<vmem>>
      %dma_wait3A_106 = arith.constant 0 : i32
      %dma_wait3A_107 = tpu.memref_slice %arg5[%add3A_92, %dma_wait3A_106] : memref<200x128xi32, #tpu.memory_space<vmem>> -> memref<1x128xi32, #tpu.memory_space<vmem>>
      %dma_wait3A_108 = tpu.memref_squeeze %dma_wait3A_107 : memref<1x128xi32, #tpu.memory_space<vmem>> -> memref<128xi32, #tpu.memory_space<vmem>>
      %dma_wait3A_109 = arith.constant 0 : i32
      %dma_wait3A_110 = arith.constant 0 : i32
      %dma_wait3A_111 = tpu.memref_slice %arg2[%dma_wait3A_109, %dma_wait3A_110] : memref<1000000x64xf32, #tpu.memory_space<hbm>> -> memref<1000000x64xf32, #tpu.memory_space<hbm>>
      tpu.wait_indirect_dma semaphore(%arg8 : memref<!tpu.dma_semaphore, #tpu.memory_space<semaphore_mem>>) src(%dma_wait3A_111 : memref<1000000x64xf32, #tpu.memory_space<hbm>>) dst(%dma_wait3A_105 : memref<128x64xf32, #tpu.memory_space<vmem>>)
      %ge3A = arith.constant 2 : i32
      %ge3A_112 = arith.cmpi sge, %add3A_92, %ge3A : i32
      %convert_element_type3A = arith.extui %ge3A_112 : i1 to i32
      %cond3A = arith.constant 0 : i32
      %cond3A_113 = arith.cmpi ne, %convert_element_type3A, %cond3A : i32
      scf.if %cond3A_113 {
        %dma_wait3A_498 = arith.constant 0 : i32
        %dma_wait3A_499 = arith.constant 0 : i32
        %dma_wait3A_500 = arith.constant 0 : i32
        %dma_wait3A_501 = tpu.memref_slice %arg7[%dma_wait3A_498, %dma_wait3A_499, %dma_wait3A_500] : memref<2x64x129xf32, #tpu.memory_space<vmem>> -> memref<1x64x129xf32, #tpu.memory_space<vmem>>
        %dma_wait3A_502 = tpu.memref_squeeze %dma_wait3A_501 : memref<1x64x129xf32, #tpu.memory_space<vmem>> -> memref<64x129xf32, #tpu.memory_space<vmem>>
        %dma_wait3A_503 = arith.constant 0 : i32
        %dma_wait3A_504 = arith.constant 0 : i32
        %dma_wait3A_505 = tpu.memref_slice %dma_wait3A_502[%dma_wait3A_503, %dma_wait3A_504] : memref<64x129xf32, #tpu.memory_space<vmem>> -> memref<64x128xf32, #tpu.memory_space<vmem>>
        %dma_wait3A_506 = arith.constant 0 : i32
        %dma_wait3A_507 = arith.constant 0 : i32
        %dma_wait3A_508 = tpu.memref_slice %arg4[%dma_wait3A_506, %dma_wait3A_507] : memref<409600x128xf32, #tpu.memory_space<hbm>> -> memref<64x128xf32, #tpu.memory_space<hbm>>
        %dma_wait3A_509 = arith.constant 0 : i32
        %dma_wait3A_510 = arith.constant 0 : i32
        %dma_wait3A_511 = tpu.memref_slice %arg4[%dma_wait3A_509, %dma_wait3A_510] : memref<409600x128xf32, #tpu.memory_space<hbm>> -> memref<64x128xf32, #tpu.memory_space<hbm>>
        %dma_wait3A_512 = arith.constant 0 : i32
        %dma_wait3A_513 = arith.constant 0 : i32
        %dma_wait3A_514 = tpu.memref_slice %arg7[%dma_wait3A_498, %dma_wait3A_512, %dma_wait3A_513] : memref<2x64x129xf32, #tpu.memory_space<vmem>> -> memref<1x64x129xf32, #tpu.memory_space<vmem>>
        %dma_wait3A_515 = tpu.memref_squeeze %dma_wait3A_514 : memref<1x64x129xf32, #tpu.memory_space<vmem>> -> memref<64x129xf32, #tpu.memory_space<vmem>>
        %dma_wait3A_516 = arith.constant 0 : i32
        %dma_wait3A_517 = arith.constant 0 : i32
        %dma_wait3A_518 = tpu.memref_slice %dma_wait3A_515[%dma_wait3A_516, %dma_wait3A_517] : memref<64x129xf32, #tpu.memory_space<vmem>> -> memref<64x128xf32, #tpu.memory_space<vmem>>
        tpu.wait_dma2 semaphore(%arg10 : memref<!tpu.dma_semaphore, #tpu.memory_space<semaphore_mem>>) src(%dma_wait3A_518 : memref<64x128xf32, #tpu.memory_space<vmem>>) dst(%dma_wait3A_511 : memref<64x128xf32, #tpu.memory_space<hbm>>)
      } else {
      }
      %parallel_loop3A = arith.constant 0 : i32
      %parallel_loop3A_114 = arith.constant 128 : i32
      %parallel_loop3A_115 = arith.constant 1 : i32
      scf.for %parallel_loop3A_498 = %parallel_loop3A to %parallel_loop3A_114 step %parallel_loop3A_115  : i32 {
        %parallel_loop3A_499 = vector.broadcast %parallel_loop3A_498 : i32 to vector<16xi32>
        %parallel_loop3A_500 = arith.constant 0 : i32
        %parallel_loop3A_501 = arith.constant 0 : i32
        %parallel_loop3A_502 = arith.constant 0 : i32
        %parallel_loop3A_503 = tpu.memref_slice %arg6[%parallel_loop3A_500, %parallel_loop3A_501, %parallel_loop3A_502] : memref<2x128x64xf32, #tpu.memory_space<vmem>> -> memref<1x128x64xf32, #tpu.memory_space<vmem>>
        %parallel_loop3A_504 = tpu.memref_squeeze %parallel_loop3A_503 : memref<1x128x64xf32, #tpu.memory_space<vmem>> -> memref<128x64xf32, #tpu.memory_space<vmem>>
        %parallel_loop3A_505 = arith.index_cast %parallel_loop3A_498 : i32 to index
        %parallel_loop3A_506 = arith.constant 0 : index
        %parallel_loop3A_507 = tpu.vector_load %parallel_loop3A_504[%parallel_loop3A_505, %parallel_loop3A_506] {strides = array<i32>} : memref<128x64xf32, #tpu.memory_space<vmem>>, vector<16xf32>,
        %parallel_loop3A_508 = arith.constant 0 : i32
        %parallel_loop3A_509 = arith.constant 0 : i32
        %parallel_loop3A_510 = arith.constant 0 : i32
        %parallel_loop3A_511 = tpu.memref_slice %arg7[%parallel_loop3A_508, %parallel_loop3A_509, %parallel_loop3A_510] : memref<2x64x129xf32, #tpu.memory_space<vmem>> -> memref<1x64x129xf32, #tpu.memory_space<vmem>>
        %parallel_loop3A_512 = tpu.memref_squeeze %parallel_loop3A_511 : memref<1x64x129xf32, #tpu.memory_space<vmem>> -> memref<64x129xf32, #tpu.memory_space<vmem>>
        tpu.vector_store_idx %parallel_loop3A_512[%add3A_7, %parallel_loop3A_499], %parallel_loop3A_507 : memref<64x129xf32, #tpu.memory_space<vmem>>[vector<16xi32>, vector<16xi32>], vector<16xf32>,
        %parallel_loop3A_513 = arith.constant 0 : i32
        %parallel_loop3A_514 = arith.constant 0 : i32
        %parallel_loop3A_515 = arith.constant 0 : i32
        %parallel_loop3A_516 = tpu.memref_slice %arg6[%parallel_loop3A_513, %parallel_loop3A_514, %parallel_loop3A_515] : memref<2x128x64xf32, #tpu.memory_space<vmem>> -> memref<1x128x64xf32, #tpu.memory_space<vmem>>
        %parallel_loop3A_517 = tpu.memref_squeeze %parallel_loop3A_516 : memref<1x128x64xf32, #tpu.memory_space<vmem>> -> memref<128x64xf32, #tpu.memory_space<vmem>>
        %parallel_loop3A_518 = arith.index_cast %parallel_loop3A_498 : i32 to index
        %parallel_loop3A_519 = arith.constant 16 : index
        %parallel_loop3A_520 = tpu.vector_load %parallel_loop3A_517[%parallel_loop3A_518, %parallel_loop3A_519] {strides = array<i32>} : memref<128x64xf32, #tpu.memory_space<vmem>>, vector<16xf32>,
        %parallel_loop3A_521 = arith.constant 0 : i32
        %parallel_loop3A_522 = arith.constant 0 : i32
        %parallel_loop3A_523 = arith.constant 0 : i32
        %parallel_loop3A_524 = tpu.memref_slice %arg7[%parallel_loop3A_521, %parallel_loop3A_522, %parallel_loop3A_523] : memref<2x64x129xf32, #tpu.memory_space<vmem>> -> memref<1x64x129xf32, #tpu.memory_space<vmem>>
        %parallel_loop3A_525 = tpu.memref_squeeze %parallel_loop3A_524 : memref<1x64x129xf32, #tpu.memory_space<vmem>> -> memref<64x129xf32, #tpu.memory_space<vmem>>
        tpu.vector_store_idx %parallel_loop3A_525[%add3A_11, %parallel_loop3A_499], %parallel_loop3A_520 : memref<64x129xf32, #tpu.memory_space<vmem>>[vector<16xi32>, vector<16xi32>], vector<16xf32>,
        %parallel_loop3A_526 = arith.constant 0 : i32
        %parallel_loop3A_527 = arith.constant 0 : i32
        %parallel_loop3A_528 = arith.constant 0 : i32
        %parallel_loop3A_529 = tpu.memref_slice %arg6[%parallel_loop3A_526, %parallel_loop3A_527, %parallel_loop3A_528] : memref<2x128x64xf32, #tpu.memory_space<vmem>> -> memref<1x128x64xf32, #tpu.memory_space<vmem>>
        %parallel_loop3A_530 = tpu.memref_squeeze %parallel_loop3A_529 : memref<1x128x64xf32, #tpu.memory_space<vmem>> -> memref<128x64xf32, #tpu.memory_space<vmem>>
        %parallel_loop3A_531 = arith.index_cast %parallel_loop3A_498 : i32 to index
        %parallel_loop3A_532 = arith.constant 32 : index
        %parallel_loop3A_533 = tpu.vector_load %parallel_loop3A_530[%parallel_loop3A_531, %parallel_loop3A_532] {strides = array<i32>} : memref<128x64xf32, #tpu.memory_space<vmem>>, vector<16xf32>,
        %parallel_loop3A_534 = arith.constant 0 : i32
        %parallel_loop3A_535 = arith.constant 0 : i32
        %parallel_loop3A_536 = arith.constant 0 : i32
        %parallel_loop3A_537 = tpu.memref_slice %arg7[%parallel_loop3A_534, %parallel_loop3A_535, %parallel_loop3A_536] : memref<2x64x129xf32, #tpu.memory_space<vmem>> -> memref<1x64x129xf32, #tpu.memory_space<vmem>>
        %parallel_loop3A_538 = tpu.memref_squeeze %parallel_loop3A_537 : memref<1x64x129xf32, #tpu.memory_space<vmem>> -> memref<64x129xf32, #tpu.memory_space<vmem>>
        tpu.vector_store_idx %parallel_loop3A_538[%add3A_15, %parallel_loop3A_499], %parallel_loop3A_533 : memref<64x129xf32, #tpu.memory_space<vmem>>[vector<16xi32>, vector<16xi32>], vector<16xf32>,
        %parallel_loop3A_539 = arith.constant 0 : i32
        %parallel_loop3A_540 = arith.constant 0 : i32
        %parallel_loop3A_541 = arith.constant 0 : i32
        %parallel_loop3A_542 = tpu.memref_slice %arg6[%parallel_loop3A_539, %parallel_loop3A_540, %parallel_loop3A_541] : memref<2x128x64xf32, #tpu.memory_space<vmem>> -> memref<1x128x64xf32, #tpu.memory_space<vmem>>
        %parallel_loop3A_543 = tpu.memref_squeeze %parallel_loop3A_542 : memref<1x128x64xf32, #tpu.memory_space<vmem>> -> memref<128x64xf32, #tpu.memory_space<vmem>>
        %parallel_loop3A_544 = arith.index_cast %parallel_loop3A_498 : i32 to index
        %parallel_loop3A_545 = arith.constant 48 : index
        %parallel_loop3A_546 = tpu.vector_load %parallel_loop3A_543[%parallel_loop3A_544, %parallel_loop3A_545] {strides = array<i32>} : memref<128x64xf32, #tpu.memory_space<vmem>>, vector<16xf32>,
        %parallel_loop3A_547 = arith.constant 0 : i32
        %parallel_loop3A_548 = arith.constant 0 : i32
        %parallel_loop3A_549 = arith.constant 0 : i32
        %parallel_loop3A_550 = tpu.memref_slice %arg7[%parallel_loop3A_547, %parallel_loop3A_548, %parallel_loop3A_549] : memref<2x64x129xf32, #tpu.memory_space<vmem>> -> memref<1x64x129xf32, #tpu.memory_space<vmem>>
        %parallel_loop3A_551 = tpu.memref_squeeze %parallel_loop3A_550 : memref<1x64x129xf32, #tpu.memory_space<vmem>> -> memref<64x129xf32, #tpu.memory_space<vmem>>
        tpu.vector_store_idx %parallel_loop3A_551[%add3A_19, %parallel_loop3A_499], %parallel_loop3A_546 : memref<64x129xf32, #tpu.memory_space<vmem>>[vector<16xi32>, vector<16xi32>], vector<16xf32>,
      } {sc.loop_unroll_factor = 8 : i64, sc.parallel_access}
      %add3A_116 = arith.constant 0 : i32
      %add3A_117 = arith.addi %mul3A_100, %add3A_116 : i32
      %dma_start3A_118 = arith.constant 0 : i32
      %dma_start3A_119 = arith.constant 0 : i32
      %dma_start3A_120 = arith.constant 0 : i32
      %dma_start3A_121 = tpu.memref_slice %arg7[%dma_start3A_118, %dma_start3A_119, %dma_start3A_120] : memref<2x64x129xf32, #tpu.memory_space<vmem>> -> memref<1x64x129xf32, #tpu.memory_space<vmem>>
      %dma_start3A_122 = tpu.memref_squeeze %dma_start3A_121 : memref<1x64x129xf32, #tpu.memory_space<vmem>> -> memref<64x129xf32, #tpu.memory_space<vmem>>
      %dma_start3A_123 = arith.constant 0 : i32
      %dma_start3A_124 = arith.constant 0 : i32
      %dma_start3A_125 = tpu.memref_slice %dma_start3A_122[%dma_start3A_123, %dma_start3A_124] : memref<64x129xf32, #tpu.memory_space<vmem>> -> memref<8x128xf32, #tpu.memory_space<vmem>>
      %dma_start3A_126 = arith.constant 0 : i32
      %dma_start3A_127 = tpu.memref_slice %arg4[%add3A_117, %dma_start3A_126] : memref<409600x128xf32, #tpu.memory_space<hbm>> -> memref<8x128xf32, #tpu.memory_space<hbm>>
      %dma_start3A_128 = arith.constant 0 : i32
      %dma_start3A_129 = tpu.memref_slice %arg4[%add3A_117, %dma_start3A_128] : memref<409600x128xf32, #tpu.memory_space<hbm>> -> memref<8x128xf32, #tpu.memory_space<hbm>>
      %dma_start3A_130 = arith.constant 0 : i32
      %dma_start3A_131 = arith.constant 0 : i32
      %dma_start3A_132 = tpu.memref_slice %arg7[%dma_start3A_118, %dma_start3A_130, %dma_start3A_131] : memref<2x64x129xf32, #tpu.memory_space<vmem>> -> memref<1x64x129xf32, #tpu.memory_space<vmem>>
      %dma_start3A_133 = tpu.memref_squeeze %dma_start3A_132 : memref<1x64x129xf32, #tpu.memory_space<vmem>> -> memref<64x129xf32, #tpu.memory_space<vmem>>
      %dma_start3A_134 = arith.constant 0 : i32
      %dma_start3A_135 = arith.constant 0 : i32
      %dma_start3A_136 = tpu.memref_slice %dma_start3A_133[%dma_start3A_134, %dma_start3A_135] : memref<64x129xf32, #tpu.memory_space<vmem>> -> memref<8x128xf32, #tpu.memory_space<vmem>>
      tpu.enqueue_dma source(%dma_start3A_136 : memref<8x128xf32, #tpu.memory_space<vmem>>) target(%dma_start3A_129 : memref<8x128xf32, #tpu.memory_space<hbm>>) target_semaphore(%arg10 : memref<!tpu.dma_semaphore, #tpu.memory_space<semaphore_mem>>)
      %add3A_137 = arith.constant 1024 : i32
      %add3A_138 = arith.addi %mul3A_100, %add3A_137 : i32
      %dma_start3A_139 = arith.constant 0 : i32
      %dma_start3A_140 = arith.constant 0 : i32
      %dma_start3A_141 = arith.constant 0 : i32
      %dma_start3A_142 = tpu.memref_slice %arg7[%dma_start3A_139, %dma_start3A_140, %dma_start3A_141] : memref<2x64x129xf32, #tpu.memory_space<vmem>> -> memref<1x64x129xf32, #tpu.memory_space<vmem>>
      %dma_start3A_143 = tpu.memref_squeeze %dma_start3A_142 : memref<1x64x129xf32, #tpu.memory_space<vmem>> -> memref<64x129xf32, #tpu.memory_space<vmem>>
      %dma_start3A_144 = arith.constant 8 : i32
      %dma_start3A_145 = arith.constant 0 : i32
      %dma_start3A_146 = tpu.memref_slice %dma_start3A_143[%dma_start3A_144, %dma_start3A_145] : memref<64x129xf32, #tpu.memory_space<vmem>> -> memref<8x128xf32, #tpu.memory_space<vmem>>
      %dma_start3A_147 = arith.constant 0 : i32
      %dma_start3A_148 = tpu.memref_slice %arg4[%add3A_138, %dma_start3A_147] : memref<409600x128xf32, #tpu.memory_space<hbm>> -> memref<8x128xf32, #tpu.memory_space<hbm>>
      %dma_start3A_149 = arith.constant 0 : i32
      %dma_start3A_150 = tpu.memref_slice %arg4[%add3A_138, %dma_start3A_149] : memref<409600x128xf32, #tpu.memory_space<hbm>> -> memref<8x128xf32, #tpu.memory_space<hbm>>
      %dma_start3A_151 = arith.constant 0 : i32
      %dma_start3A_152 = arith.constant 0 : i32
      %dma_start3A_153 = tpu.memref_slice %arg7[%dma_start3A_139, %dma_start3A_151, %dma_start3A_152] : memref<2x64x129xf32, #tpu.memory_space<vmem>> -> memref<1x64x129xf32, #tpu.memory_space<vmem>>
      %dma_start3A_154 = tpu.memref_squeeze %dma_start3A_153 : memref<1x64x129xf32, #tpu.memory_space<vmem>> -> memref<64x129xf32, #tpu.memory_space<vmem>>
      %dma_start3A_155 = arith.constant 8 : i32
      %dma_start3A_156 = arith.constant 0 : i32
      %dma_start3A_157 = tpu.memref_slice %dma_start3A_154[%dma_start3A_155, %dma_start3A_156] : memref<64x129xf32, #tpu.memory_space<vmem>> -> memref<8x128xf32, #tpu.memory_space<vmem>>
      tpu.enqueue_dma source(%dma_start3A_157 : memref<8x128xf32, #tpu.memory_space<vmem>>) target(%dma_start3A_150 : memref<8x128xf32, #tpu.memory_space<hbm>>) target_semaphore(%arg10 : memref<!tpu.dma_semaphore, #tpu.memory_space<semaphore_mem>>)
      %add3A_158 = arith.constant 2048 : i32
      %add3A_159 = arith.addi %mul3A_100, %add3A_158 : i32
      %dma_start3A_160 = arith.constant 0 : i32
      %dma_start3A_161 = arith.constant 0 : i32
      %dma_start3A_162 = arith.constant 0 : i32
      %dma_start3A_163 = tpu.memref_slice %arg7[%dma_start3A_160, %dma_start3A_161, %dma_start3A_162] : memref<2x64x129xf32, #tpu.memory_space<vmem>> -> memref<1x64x129xf32, #tpu.memory_space<vmem>>
      %dma_start3A_164 = tpu.memref_squeeze %dma_start3A_163 : memref<1x64x129xf32, #tpu.memory_space<vmem>> -> memref<64x129xf32, #tpu.memory_space<vmem>>
      %dma_start3A_165 = arith.constant 16 : i32
      %dma_start3A_166 = arith.constant 0 : i32
      %dma_start3A_167 = tpu.memref_slice %dma_start3A_164[%dma_start3A_165, %dma_start3A_166] : memref<64x129xf32, #tpu.memory_space<vmem>> -> memref<8x128xf32, #tpu.memory_space<vmem>>
      %dma_start3A_168 = arith.constant 0 : i32
      %dma_start3A_169 = tpu.memref_slice %arg4[%add3A_159, %dma_start3A_168] : memref<409600x128xf32, #tpu.memory_space<hbm>> -> memref<8x128xf32, #tpu.memory_space<hbm>>
      %dma_start3A_170 = arith.constant 0 : i32
      %dma_start3A_171 = tpu.memref_slice %arg4[%add3A_159, %dma_start3A_170] : memref<409600x128xf32, #tpu.memory_space<hbm>> -> memref<8x128xf32, #tpu.memory_space<hbm>>
      %dma_start3A_172 = arith.constant 0 : i32
      %dma_start3A_173 = arith.constant 0 : i32
      %dma_start3A_174 = tpu.memref_slice %arg7[%dma_start3A_160, %dma_start3A_172, %dma_start3A_173] : memref<2x64x129xf32, #tpu.memory_space<vmem>> -> memref<1x64x129xf32, #tpu.memory_space<vmem>>
      %dma_start3A_175 = tpu.memref_squeeze %dma_start3A_174 : memref<1x64x129xf32, #tpu.memory_space<vmem>> -> memref<64x129xf32, #tpu.memory_space<vmem>>
      %dma_start3A_176 = arith.constant 16 : i32
      %dma_start3A_177 = arith.constant 0 : i32
      %dma_start3A_178 = tpu.memref_slice %dma_start3A_175[%dma_start3A_176, %dma_start3A_177] : memref<64x129xf32, #tpu.memory_space<vmem>> -> memref<8x128xf32, #tpu.memory_space<vmem>>
      tpu.enqueue_dma source(%dma_start3A_178 : memref<8x128xf32, #tpu.memory_space<vmem>>) target(%dma_start3A_171 : memref<8x128xf32, #tpu.memory_space<hbm>>) target_semaphore(%arg10 : memref<!tpu.dma_semaphore, #tpu.memory_space<semaphore_mem>>)
      %add3A_179 = arith.constant 3072 : i32
      %add3A_180 = arith.addi %mul3A_100, %add3A_179 : i32
      %dma_start3A_181 = arith.constant 0 : i32
      %dma_start3A_182 = arith.constant 0 : i32
      %dma_start3A_183 = arith.constant 0 : i32
      %dma_start3A_184 = tpu.memref_slice %arg7[%dma_start3A_181, %dma_start3A_182, %dma_start3A_183] : memref<2x64x129xf32, #tpu.memory_space<vmem>> -> memref<1x64x129xf32, #tpu.memory_space<vmem>>
      %dma_start3A_185 = tpu.memref_squeeze %dma_start3A_184 : memref<1x64x129xf32, #tpu.memory_space<vmem>> -> memref<64x129xf32, #tpu.memory_space<vmem>>
      %dma_start3A_186 = arith.constant 24 : i32
      %dma_start3A_187 = arith.constant 0 : i32
      %dma_start3A_188 = tpu.memref_slice %dma_start3A_185[%dma_start3A_186, %dma_start3A_187] : memref<64x129xf32, #tpu.memory_space<vmem>> -> memref<8x128xf32, #tpu.memory_space<vmem>>
      %dma_start3A_189 = arith.constant 0 : i32
      %dma_start3A_190 = tpu.memref_slice %arg4[%add3A_180, %dma_start3A_189] : memref<409600x128xf32, #tpu.memory_space<hbm>> -> memref<8x128xf32, #tpu.memory_space<hbm>>
      %dma_start3A_191 = arith.constant 0 : i32
      %dma_start3A_192 = tpu.memref_slice %arg4[%add3A_180, %dma_start3A_191] : memref<409600x128xf32, #tpu.memory_space<hbm>> -> memref<8x128xf32, #tpu.memory_space<hbm>>
      %dma_start3A_193 = arith.constant 0 : i32
      %dma_start3A_194 = arith.constant 0 : i32
      %dma_start3A_195 = tpu.memref_slice %arg7[%dma_start3A_181, %dma_start3A_193, %dma_start3A_194] : memref<2x64x129xf32, #tpu.memory_space<vmem>> -> memref<1x64x129xf32, #tpu.memory_space<vmem>>
      %dma_start3A_196 = tpu.memref_squeeze %dma_start3A_195 : memref<1x64x129xf32, #tpu.memory_space<vmem>> -> memref<64x129xf32, #tpu.memory_space<vmem>>
      %dma_start3A_197 = arith.constant 24 : i32
      %dma_start3A_198 = arith.constant 0 : i32
      %dma_start3A_199 = tpu.memref_slice %dma_start3A_196[%dma_start3A_197, %dma_start3A_198] : memref<64x129xf32, #tpu.memory_space<vmem>> -> memref<8x128xf32, #tpu.memory_space<vmem>>
      tpu.enqueue_dma source(%dma_start3A_199 : memref<8x128xf32, #tpu.memory_space<vmem>>) target(%dma_start3A_192 : memref<8x128xf32, #tpu.memory_space<hbm>>) target_semaphore(%arg10 : memref<!tpu.dma_semaphore, #tpu.memory_space<semaphore_mem>>)
      %add3A_200 = arith.constant 4096 : i32
      %add3A_201 = arith.addi %mul3A_100, %add3A_200 : i32
      %dma_start3A_202 = arith.constant 0 : i32
      %dma_start3A_203 = arith.constant 0 : i32
      %dma_start3A_204 = arith.constant 0 : i32
      %dma_start3A_205 = tpu.memref_slice %arg7[%dma_start3A_202, %dma_start3A_203, %dma_start3A_204] : memref<2x64x129xf32, #tpu.memory_space<vmem>> -> memref<1x64x129xf32, #tpu.memory_space<vmem>>
      %dma_start3A_206 = tpu.memref_squeeze %dma_start3A_205 : memref<1x64x129xf32, #tpu.memory_space<vmem>> -> memref<64x129xf32, #tpu.memory_space<vmem>>
      %dma_start3A_207 = arith.constant 32 : i32
      %dma_start3A_208 = arith.constant 0 : i32
      %dma_start3A_209 = tpu.memref_slice %dma_start3A_206[%dma_start3A_207, %dma_start3A_208] : memref<64x129xf32, #tpu.memory_space<vmem>> -> memref<8x128xf32, #tpu.memory_space<vmem>>
      %dma_start3A_210 = arith.constant 0 : i32
      %dma_start3A_211 = tpu.memref_slice %arg4[%add3A_201, %dma_start3A_210] : memref<409600x128xf32, #tpu.memory_space<hbm>> -> memref<8x128xf32, #tpu.memory_space<hbm>>
      %dma_start3A_212 = arith.constant 0 : i32
      %dma_start3A_213 = tpu.memref_slice %arg4[%add3A_201, %dma_start3A_212] : memref<409600x128xf32, #tpu.memory_space<hbm>> -> memref<8x128xf32, #tpu.memory_space<hbm>>
      %dma_start3A_214 = arith.constant 0 : i32
      %dma_start3A_215 = arith.constant 0 : i32
      %dma_start3A_216 = tpu.memref_slice %arg7[%dma_start3A_202, %dma_start3A_214, %dma_start3A_215] : memref<2x64x129xf32, #tpu.memory_space<vmem>> -> memref<1x64x129xf32, #tpu.memory_space<vmem>>
      %dma_start3A_217 = tpu.memref_squeeze %dma_start3A_216 : memref<1x64x129xf32, #tpu.memory_space<vmem>> -> memref<64x129xf32, #tpu.memory_space<vmem>>
      %dma_start3A_218 = arith.constant 32 : i32
      %dma_start3A_219 = arith.constant 0 : i32
      %dma_start3A_220 = tpu.memref_slice %dma_start3A_217[%dma_start3A_218, %dma_start3A_219] : memref<64x129xf32, #tpu.memory_space<vmem>> -> memref<8x128xf32, #tpu.memory_space<vmem>>
      tpu.enqueue_dma source(%dma_start3A_220 : memref<8x128xf32, #tpu.memory_space<vmem>>) target(%dma_start3A_213 : memref<8x128xf32, #tpu.memory_space<hbm>>) target_semaphore(%arg10 : memref<!tpu.dma_semaphore, #tpu.memory_space<semaphore_mem>>)
      %add3A_221 = arith.constant 5120 : i32
      %add3A_222 = arith.addi %mul3A_100, %add3A_221 : i32
      %dma_start3A_223 = arith.constant 0 : i32
      %dma_start3A_224 = arith.constant 0 : i32
      %dma_start3A_225 = arith.constant 0 : i32
      %dma_start3A_226 = tpu.memref_slice %arg7[%dma_start3A_223, %dma_start3A_224, %dma_start3A_225] : memref<2x64x129xf32, #tpu.memory_space<vmem>> -> memref<1x64x129xf32, #tpu.memory_space<vmem>>
      %dma_start3A_227 = tpu.memref_squeeze %dma_start3A_226 : memref<1x64x129xf32, #tpu.memory_space<vmem>> -> memref<64x129xf32, #tpu.memory_space<vmem>>
      %dma_start3A_228 = arith.constant 40 : i32
      %dma_start3A_229 = arith.constant 0 : i32
      %dma_start3A_230 = tpu.memref_slice %dma_start3A_227[%dma_start3A_228, %dma_start3A_229] : memref<64x129xf32, #tpu.memory_space<vmem>> -> memref<8x128xf32, #tpu.memory_space<vmem>>
      %dma_start3A_231 = arith.constant 0 : i32
      %dma_start3A_232 = tpu.memref_slice %arg4[%add3A_222, %dma_start3A_231] : memref<409600x128xf32, #tpu.memory_space<hbm>> -> memref<8x128xf32, #tpu.memory_space<hbm>>
      %dma_start3A_233 = arith.constant 0 : i32
      %dma_start3A_234 = tpu.memref_slice %arg4[%add3A_222, %dma_start3A_233] : memref<409600x128xf32, #tpu.memory_space<hbm>> -> memref<8x128xf32, #tpu.memory_space<hbm>>
      %dma_start3A_235 = arith.constant 0 : i32
      %dma_start3A_236 = arith.constant 0 : i32
      %dma_start3A_237 = tpu.memref_slice %arg7[%dma_start3A_223, %dma_start3A_235, %dma_start3A_236] : memref<2x64x129xf32, #tpu.memory_space<vmem>> -> memref<1x64x129xf32, #tpu.memory_space<vmem>>
      %dma_start3A_238 = tpu.memref_squeeze %dma_start3A_237 : memref<1x64x129xf32, #tpu.memory_space<vmem>> -> memref<64x129xf32, #tpu.memory_space<vmem>>
      %dma_start3A_239 = arith.constant 40 : i32
      %dma_start3A_240 = arith.constant 0 : i32
      %dma_start3A_241 = tpu.memref_slice %dma_start3A_238[%dma_start3A_239, %dma_start3A_240] : memref<64x129xf32, #tpu.memory_space<vmem>> -> memref<8x128xf32, #tpu.memory_space<vmem>>
      tpu.enqueue_dma source(%dma_start3A_241 : memref<8x128xf32, #tpu.memory_space<vmem>>) target(%dma_start3A_234 : memref<8x128xf32, #tpu.memory_space<hbm>>) target_semaphore(%arg10 : memref<!tpu.dma_semaphore, #tpu.memory_space<semaphore_mem>>)
      %add3A_242 = arith.constant 6144 : i32
      %add3A_243 = arith.addi %mul3A_100, %add3A_242 : i32
      %dma_start3A_244 = arith.constant 0 : i32
      %dma_start3A_245 = arith.constant 0 : i32
      %dma_start3A_246 = arith.constant 0 : i32
      %dma_start3A_247 = tpu.memref_slice %arg7[%dma_start3A_244, %dma_start3A_245, %dma_start3A_246] : memref<2x64x129xf32, #tpu.memory_space<vmem>> -> memref<1x64x129xf32, #tpu.memory_space<vmem>>
      %dma_start3A_248 = tpu.memref_squeeze %dma_start3A_247 : memref<1x64x129xf32, #tpu.memory_space<vmem>> -> memref<64x129xf32, #tpu.memory_space<vmem>>
      %dma_start3A_249 = arith.constant 48 : i32
      %dma_start3A_250 = arith.constant 0 : i32
      %dma_start3A_251 = tpu.memref_slice %dma_start3A_248[%dma_start3A_249, %dma_start3A_250] : memref<64x129xf32, #tpu.memory_space<vmem>> -> memref<8x128xf32, #tpu.memory_space<vmem>>
      %dma_start3A_252 = arith.constant 0 : i32
      %dma_start3A_253 = tpu.memref_slice %arg4[%add3A_243, %dma_start3A_252] : memref<409600x128xf32, #tpu.memory_space<hbm>> -> memref<8x128xf32, #tpu.memory_space<hbm>>
      %dma_start3A_254 = arith.constant 0 : i32
      %dma_start3A_255 = tpu.memref_slice %arg4[%add3A_243, %dma_start3A_254] : memref<409600x128xf32, #tpu.memory_space<hbm>> -> memref<8x128xf32, #tpu.memory_space<hbm>>
      %dma_start3A_256 = arith.constant 0 : i32
      %dma_start3A_257 = arith.constant 0 : i32
      %dma_start3A_258 = tpu.memref_slice %arg7[%dma_start3A_244, %dma_start3A_256, %dma_start3A_257] : memref<2x64x129xf32, #tpu.memory_space<vmem>> -> memref<1x64x129xf32, #tpu.memory_space<vmem>>
      %dma_start3A_259 = tpu.memref_squeeze %dma_start3A_258 : memref<1x64x129xf32, #tpu.memory_space<vmem>> -> memref<64x129xf32, #tpu.memory_space<vmem>>
      %dma_start3A_260 = arith.constant 48 : i32
      %dma_start3A_261 = arith.constant 0 : i32
      %dma_start3A_262 = tpu.memref_slice %dma_start3A_259[%dma_start3A_260, %dma_start3A_261] : memref<64x129xf32, #tpu.memory_space<vmem>> -> memref<8x128xf32, #tpu.memory_space<vmem>>
      tpu.enqueue_dma source(%dma_start3A_262 : memref<8x128xf32, #tpu.memory_space<vmem>>) target(%dma_start3A_255 : memref<8x128xf32, #tpu.memory_space<hbm>>) target_semaphore(%arg10 : memref<!tpu.dma_semaphore, #tpu.memory_space<semaphore_mem>>)
      %add3A_263 = arith.constant 7168 : i32
      %add3A_264 = arith.addi %mul3A_100, %add3A_263 : i32
      %dma_start3A_265 = arith.constant 0 : i32
      %dma_start3A_266 = arith.constant 0 : i32
      %dma_start3A_267 = arith.constant 0 : i32
      %dma_start3A_268 = tpu.memref_slice %arg7[%dma_start3A_265, %dma_start3A_266, %dma_start3A_267] : memref<2x64x129xf32, #tpu.memory_space<vmem>> -> memref<1x64x129xf32, #tpu.memory_space<vmem>>
      %dma_start3A_269 = tpu.memref_squeeze %dma_start3A_268 : memref<1x64x129xf32, #tpu.memory_space<vmem>> -> memref<64x129xf32, #tpu.memory_space<vmem>>
      %dma_start3A_270 = arith.constant 56 : i32
      %dma_start3A_271 = arith.constant 0 : i32
      %dma_start3A_272 = tpu.memref_slice %dma_start3A_269[%dma_start3A_270, %dma_start3A_271] : memref<64x129xf32, #tpu.memory_space<vmem>> -> memref<8x128xf32, #tpu.memory_space<vmem>>
      %dma_start3A_273 = arith.constant 0 : i32
      %dma_start3A_274 = tpu.memref_slice %arg4[%add3A_264, %dma_start3A_273] : memref<409600x128xf32, #tpu.memory_space<hbm>> -> memref<8x128xf32, #tpu.memory_space<hbm>>
      %dma_start3A_275 = arith.constant 0 : i32
      %dma_start3A_276 = tpu.memref_slice %arg4[%add3A_264, %dma_start3A_275] : memref<409600x128xf32, #tpu.memory_space<hbm>> -> memref<8x128xf32, #tpu.memory_space<hbm>>
      %dma_start3A_277 = arith.constant 0 : i32
      %dma_start3A_278 = arith.constant 0 : i32
      %dma_start3A_279 = tpu.memref_slice %arg7[%dma_start3A_265, %dma_start3A_277, %dma_start3A_278] : memref<2x64x129xf32, #tpu.memory_space<vmem>> -> memref<1x64x129xf32, #tpu.memory_space<vmem>>
      %dma_start3A_280 = tpu.memref_squeeze %dma_start3A_279 : memref<1x64x129xf32, #tpu.memory_space<vmem>> -> memref<64x129xf32, #tpu.memory_space<vmem>>
      %dma_start3A_281 = arith.constant 56 : i32
      %dma_start3A_282 = arith.constant 0 : i32
      %dma_start3A_283 = tpu.memref_slice %dma_start3A_280[%dma_start3A_281, %dma_start3A_282] : memref<64x129xf32, #tpu.memory_space<vmem>> -> memref<8x128xf32, #tpu.memory_space<vmem>>
      tpu.enqueue_dma source(%dma_start3A_283 : memref<8x128xf32, #tpu.memory_space<vmem>>) target(%dma_start3A_276 : memref<8x128xf32, #tpu.memory_space<hbm>>) target_semaphore(%arg10 : memref<!tpu.dma_semaphore, #tpu.memory_space<semaphore_mem>>)
      %add3A_284 = arith.constant 2 : i32
      %add3A_285 = arith.addi %add3A_92, %add3A_284 : i32
      %lt3A = arith.constant 200 : i32
      %lt3A_286 = arith.cmpi slt, %add3A_285, %lt3A : i32
      %convert_element_type3A_287 = arith.extui %lt3A_286 : i1 to i32
      %cond3A_288 = arith.constant 0 : i32
      %cond3A_289 = arith.cmpi ne, %convert_element_type3A_287, %cond3A_288 : i32
      scf.if %cond3A_289 {
        %add3A_498 = arith.constant 2 : i32
        %add3A_499 = arith.addi %add3A_92, %add3A_498 : i32
        %dma_start3A_500 = arith.constant 0 : i32
        %dma_start3A_501 = arith.constant 0 : i32
        %dma_start3A_502 = arith.constant 0 : i32
        %dma_start3A_503 = tpu.memref_slice %arg6[%dma_start3A_500, %dma_start3A_501, %dma_start3A_502] : memref<2x128x64xf32, #tpu.memory_space<vmem>> -> memref<1x128x64xf32, #tpu.memory_space<vmem>>
        %dma_start3A_504 = tpu.memref_squeeze %dma_start3A_503 : memref<1x128x64xf32, #tpu.memory_space<vmem>> -> memref<128x64xf32, #tpu.memory_space<vmem>>
        %dma_start3A_505 = arith.constant 0 : i32
        %dma_start3A_506 = tpu.memref_slice %arg5[%add3A_499, %dma_start3A_505] : memref<200x128xi32, #tpu.memory_space<vmem>> -> memref<1x128xi32, #tpu.memory_space<vmem>>
        %dma_start3A_507 = tpu.memref_squeeze %dma_start3A_506 : memref<1x128xi32, #tpu.memory_space<vmem>> -> memref<128xi32, #tpu.memory_space<vmem>>
        %dma_start3A_508 = arith.constant 0 : i32
        %dma_start3A_509 = arith.constant 0 : i32
        %dma_start3A_510 = tpu.memref_slice %arg2[%dma_start3A_508, %dma_start3A_509] : memref<1000000x64xf32, #tpu.memory_space<hbm>> -> memref<1000000x64xf32, #tpu.memory_space<hbm>>
        tpu.enqueue_indirect_dma source(%dma_start3A_510 : memref<1000000x64xf32, #tpu.memory_space<hbm>>) target(%dma_start3A_504 : memref<128x64xf32, #tpu.memory_space<vmem>>) offsets(%dma_start3A_507 : memref<128xi32, #tpu.memory_space<vmem>>) semaphore(%arg8 : memref<!tpu.dma_semaphore, #tpu.memory_space<semaphore_mem>>)
      } else {
      }
      %mul3A_290 = arith.constant 2 : i32
      %mul3A_291 = arith.muli %scan3A_88, %mul3A_290 : i32
      %add3A_292 = arith.constant 1 : i32
      %add3A_293 = arith.addi %mul3A_291, %add3A_292 : i32
      %add3A_294 = arith.addi %mul3A_4, %add3A_293 : i32
      %shift_right_logical3A_295 = arith.constant 7 : i32
      %shift_right_logical3A_296 = arith.shrui %add3A_294, %shift_right_logical3A_295 : i32
      %and3A_297 = arith.constant 127 : i32
      %and3A_298 = arith.andi %add3A_294, %and3A_297 : i32
      %mul3A_299 = arith.constant 1024 : i32
      %mul3A_300 = arith.muli %shift_right_logical3A_296, %mul3A_299 : i32
      %add3A_301 = arith.addi %mul3A_300, %and3A_298 : i32
      %mul3A_302 = arith.constant 8 : i32
      %mul3A_303 = arith.muli %add3A_301, %mul3A_302 : i32
      %dma_wait3A_304 = arith.constant 1 : i32
      %dma_wait3A_305 = arith.constant 0 : i32
      %dma_wait3A_306 = arith.constant 0 : i32
      %dma_wait3A_307 = tpu.memref_slice %arg6[%dma_wait3A_304, %dma_wait3A_305, %dma_wait3A_306] : memref<2x128x64xf32, #tpu.memory_space<vmem>> -> memref<1x128x64xf32, #tpu.memory_space<vmem>>
      %dma_wait3A_308 = tpu.memref_squeeze %dma_wait3A_307 : memref<1x128x64xf32, #tpu.memory_space<vmem>> -> memref<128x64xf32, #tpu.memory_space<vmem>>
      %dma_wait3A_309 = arith.constant 0 : i32
      %dma_wait3A_310 = tpu.memref_slice %arg5[%add3A_293, %dma_wait3A_309] : memref<200x128xi32, #tpu.memory_space<vmem>> -> memref<1x128xi32, #tpu.memory_space<vmem>>
      %dma_wait3A_311 = tpu.memref_squeeze %dma_wait3A_310 : memref<1x128xi32, #tpu.memory_space<vmem>> -> memref<128xi32, #tpu.memory_space<vmem>>
      %dma_wait3A_312 = arith.constant 0 : i32
      %dma_wait3A_313 = arith.constant 0 : i32
      %dma_wait3A_314 = tpu.memref_slice %arg2[%dma_wait3A_312, %dma_wait3A_313] : memref<1000000x64xf32, #tpu.memory_space<hbm>> -> memref<1000000x64xf32, #tpu.memory_space<hbm>>
      tpu.wait_indirect_dma semaphore(%arg9 : memref<!tpu.dma_semaphore, #tpu.memory_space<semaphore_mem>>) src(%dma_wait3A_314 : memref<1000000x64xf32, #tpu.memory_space<hbm>>) dst(%dma_wait3A_308 : memref<128x64xf32, #tpu.memory_space<vmem>>)
      %ge3A_315 = arith.constant 2 : i32
      %ge3A_316 = arith.cmpi sge, %add3A_293, %ge3A_315 : i32
      %convert_element_type3A_317 = arith.extui %ge3A_316 : i1 to i32
      %cond3A_318 = arith.constant 0 : i32
      %cond3A_319 = arith.cmpi ne, %convert_element_type3A_317, %cond3A_318 : i32
      scf.if %cond3A_319 {
        %dma_wait3A_498 = arith.constant 1 : i32
        %dma_wait3A_499 = arith.constant 0 : i32
        %dma_wait3A_500 = arith.constant 0 : i32
        %dma_wait3A_501 = tpu.memref_slice %arg7[%dma_wait3A_498, %dma_wait3A_499, %dma_wait3A_500] : memref<2x64x129xf32, #tpu.memory_space<vmem>> -> memref<1x64x129xf32, #tpu.memory_space<vmem>>
        %dma_wait3A_502 = tpu.memref_squeeze %dma_wait3A_501 : memref<1x64x129xf32, #tpu.memory_space<vmem>> -> memref<64x129xf32, #tpu.memory_space<vmem>>
        %dma_wait3A_503 = arith.constant 0 : i32
        %dma_wait3A_504 = arith.constant 0 : i32
        %dma_wait3A_505 = tpu.memref_slice %dma_wait3A_502[%dma_wait3A_503, %dma_wait3A_504] : memref<64x129xf32, #tpu.memory_space<vmem>> -> memref<64x128xf32, #tpu.memory_space<vmem>>
        %dma_wait3A_506 = arith.constant 0 : i32
        %dma_wait3A_507 = arith.constant 0 : i32
        %dma_wait3A_508 = tpu.memref_slice %arg4[%dma_wait3A_506, %dma_wait3A_507] : memref<409600x128xf32, #tpu.memory_space<hbm>> -> memref<64x128xf32, #tpu.memory_space<hbm>>
        %dma_wait3A_509 = arith.constant 0 : i32
        %dma_wait3A_510 = arith.constant 0 : i32
        %dma_wait3A_511 = tpu.memref_slice %arg4[%dma_wait3A_509, %dma_wait3A_510] : memref<409600x128xf32, #tpu.memory_space<hbm>> -> memref<64x128xf32, #tpu.memory_space<hbm>>
        %dma_wait3A_512 = arith.constant 0 : i32
        %dma_wait3A_513 = arith.constant 0 : i32
        %dma_wait3A_514 = tpu.memref_slice %arg7[%dma_wait3A_498, %dma_wait3A_512, %dma_wait3A_513] : memref<2x64x129xf32, #tpu.memory_space<vmem>> -> memref<1x64x129xf32, #tpu.memory_space<vmem>>
        %dma_wait3A_515 = tpu.memref_squeeze %dma_wait3A_514 : memref<1x64x129xf32, #tpu.memory_space<vmem>> -> memref<64x129xf32, #tpu.memory_space<vmem>>
        %dma_wait3A_516 = arith.constant 0 : i32
        %dma_wait3A_517 = arith.constant 0 : i32
        %dma_wait3A_518 = tpu.memref_slice %dma_wait3A_515[%dma_wait3A_516, %dma_wait3A_517] : memref<64x129xf32, #tpu.memory_space<vmem>> -> memref<64x128xf32, #tpu.memory_space<vmem>>
        tpu.wait_dma2 semaphore(%arg11 : memref<!tpu.dma_semaphore, #tpu.memory_space<semaphore_mem>>) src(%dma_wait3A_518 : memref<64x128xf32, #tpu.memory_space<vmem>>) dst(%dma_wait3A_511 : memref<64x128xf32, #tpu.memory_space<hbm>>)
      } else {
      }
      %parallel_loop3A_320 = arith.constant 0 : i32
      %parallel_loop3A_321 = arith.constant 128 : i32
      %parallel_loop3A_322 = arith.constant 1 : i32
      scf.for %parallel_loop3A_498 = %parallel_loop3A_320 to %parallel_loop3A_321 step %parallel_loop3A_322  : i32 {
        %parallel_loop3A_499 = vector.broadcast %parallel_loop3A_498 : i32 to vector<16xi32>
        %parallel_loop3A_500 = arith.constant 1 : i32
        %parallel_loop3A_501 = arith.constant 0 : i32
        %parallel_loop3A_502 = arith.constant 0 : i32
        %parallel_loop3A_503 = tpu.memref_slice %arg6[%parallel_loop3A_500, %parallel_loop3A_501, %parallel_loop3A_502] : memref<2x128x64xf32, #tpu.memory_space<vmem>> -> memref<1x128x64xf32, #tpu.memory_space<vmem>>
        %parallel_loop3A_504 = tpu.memref_squeeze %parallel_loop3A_503 : memref<1x128x64xf32, #tpu.memory_space<vmem>> -> memref<128x64xf32, #tpu.memory_space<vmem>>
        %parallel_loop3A_505 = arith.index_cast %parallel_loop3A_498 : i32 to index
        %parallel_loop3A_506 = arith.constant 0 : index
        %parallel_loop3A_507 = tpu.vector_load %parallel_loop3A_504[%parallel_loop3A_505, %parallel_loop3A_506] {strides = array<i32>} : memref<128x64xf32, #tpu.memory_space<vmem>>, vector<16xf32>,
        %parallel_loop3A_508 = arith.constant 1 : i32
        %parallel_loop3A_509 = arith.constant 0 : i32
        %parallel_loop3A_510 = arith.constant 0 : i32
        %parallel_loop3A_511 = tpu.memref_slice %arg7[%parallel_loop3A_508, %parallel_loop3A_509, %parallel_loop3A_510] : memref<2x64x129xf32, #tpu.memory_space<vmem>> -> memref<1x64x129xf32, #tpu.memory_space<vmem>>
        %parallel_loop3A_512 = tpu.memref_squeeze %parallel_loop3A_511 : memref<1x64x129xf32, #tpu.memory_space<vmem>> -> memref<64x129xf32, #tpu.memory_space<vmem>>
        tpu.vector_store_idx %parallel_loop3A_512[%add3A_7, %parallel_loop3A_499], %parallel_loop3A_507 : memref<64x129xf32, #tpu.memory_space<vmem>>[vector<16xi32>, vector<16xi32>], vector<16xf32>,
        %parallel_loop3A_513 = arith.constant 1 : i32
        %parallel_loop3A_514 = arith.constant 0 : i32
        %parallel_loop3A_515 = arith.constant 0 : i32
        %parallel_loop3A_516 = tpu.memref_slice %arg6[%parallel_loop3A_513, %parallel_loop3A_514, %parallel_loop3A_515] : memref<2x128x64xf32, #tpu.memory_space<vmem>> -> memref<1x128x64xf32, #tpu.memory_space<vmem>>
        %parallel_loop3A_517 = tpu.memref_squeeze %parallel_loop3A_516 : memref<1x128x64xf32, #tpu.memory_space<vmem>> -> memref<128x64xf32, #tpu.memory_space<vmem>>
        %parallel_loop3A_518 = arith.index_cast %parallel_loop3A_498 : i32 to index
        %parallel_loop3A_519 = arith.constant 16 : index
        %parallel_loop3A_520 = tpu.vector_load %parallel_loop3A_517[%parallel_loop3A_518, %parallel_loop3A_519] {strides = array<i32>} : memref<128x64xf32, #tpu.memory_space<vmem>>, vector<16xf32>,
        %parallel_loop3A_521 = arith.constant 1 : i32
        %parallel_loop3A_522 = arith.constant 0 : i32
        %parallel_loop3A_523 = arith.constant 0 : i32
        %parallel_loop3A_524 = tpu.memref_slice %arg7[%parallel_loop3A_521, %parallel_loop3A_522, %parallel_loop3A_523] : memref<2x64x129xf32, #tpu.memory_space<vmem>> -> memref<1x64x129xf32, #tpu.memory_space<vmem>>
        %parallel_loop3A_525 = tpu.memref_squeeze %parallel_loop3A_524 : memref<1x64x129xf32, #tpu.memory_space<vmem>> -> memref<64x129xf32, #tpu.memory_space<vmem>>
        tpu.vector_store_idx %parallel_loop3A_525[%add3A_11, %parallel_loop3A_499], %parallel_loop3A_520 : memref<64x129xf32, #tpu.memory_space<vmem>>[vector<16xi32>, vector<16xi32>], vector<16xf32>,
        %parallel_loop3A_526 = arith.constant 1 : i32
        %parallel_loop3A_527 = arith.constant 0 : i32
        %parallel_loop3A_528 = arith.constant 0 : i32
        %parallel_loop3A_529 = tpu.memref_slice %arg6[%parallel_loop3A_526, %parallel_loop3A_527, %parallel_loop3A_528] : memref<2x128x64xf32, #tpu.memory_space<vmem>> -> memref<1x128x64xf32, #tpu.memory_space<vmem>>
        %parallel_loop3A_530 = tpu.memref_squeeze %parallel_loop3A_529 : memref<1x128x64xf32, #tpu.memory_space<vmem>> -> memref<128x64xf32, #tpu.memory_space<vmem>>
        %parallel_loop3A_531 = arith.index_cast %parallel_loop3A_498 : i32 to index
        %parallel_loop3A_532 = arith.constant 32 : index
        %parallel_loop3A_533 = tpu.vector_load %parallel_loop3A_530[%parallel_loop3A_531, %parallel_loop3A_532] {strides = array<i32>} : memref<128x64xf32, #tpu.memory_space<vmem>>, vector<16xf32>,
        %parallel_loop3A_534 = arith.constant 1 : i32
        %parallel_loop3A_535 = arith.constant 0 : i32
        %parallel_loop3A_536 = arith.constant 0 : i32
        %parallel_loop3A_537 = tpu.memref_slice %arg7[%parallel_loop3A_534, %parallel_loop3A_535, %parallel_loop3A_536] : memref<2x64x129xf32, #tpu.memory_space<vmem>> -> memref<1x64x129xf32, #tpu.memory_space<vmem>>
        %parallel_loop3A_538 = tpu.memref_squeeze %parallel_loop3A_537 : memref<1x64x129xf32, #tpu.memory_space<vmem>> -> memref<64x129xf32, #tpu.memory_space<vmem>>
        tpu.vector_store_idx %parallel_loop3A_538[%add3A_15, %parallel_loop3A_499], %parallel_loop3A_533 : memref<64x129xf32, #tpu.memory_space<vmem>>[vector<16xi32>, vector<16xi32>], vector<16xf32>,
        %parallel_loop3A_539 = arith.constant 1 : i32
        %parallel_loop3A_540 = arith.constant 0 : i32
        %parallel_loop3A_541 = arith.constant 0 : i32
        %parallel_loop3A_542 = tpu.memref_slice %arg6[%parallel_loop3A_539, %parallel_loop3A_540, %parallel_loop3A_541] : memref<2x128x64xf32, #tpu.memory_space<vmem>> -> memref<1x128x64xf32, #tpu.memory_space<vmem>>
        %parallel_loop3A_543 = tpu.memref_squeeze %parallel_loop3A_542 : memref<1x128x64xf32, #tpu.memory_space<vmem>> -> memref<128x64xf32, #tpu.memory_space<vmem>>
        %parallel_loop3A_544 = arith.index_cast %parallel_loop3A_498 : i32 to index
        %parallel_loop3A_545 = arith.constant 48 : index
        %parallel_loop3A_546 = tpu.vector_load %parallel_loop3A_543[%parallel_loop3A_544, %parallel_loop3A_545] {strides = array<i32>} : memref<128x64xf32, #tpu.memory_space<vmem>>, vector<16xf32>,
        %parallel_loop3A_547 = arith.constant 1 : i32
        %parallel_loop3A_548 = arith.constant 0 : i32
        %parallel_loop3A_549 = arith.constant 0 : i32
        %parallel_loop3A_550 = tpu.memref_slice %arg7[%parallel_loop3A_547, %parallel_loop3A_548, %parallel_loop3A_549] : memref<2x64x129xf32, #tpu.memory_space<vmem>> -> memref<1x64x129xf32, #tpu.memory_space<vmem>>
        %parallel_loop3A_551 = tpu.memref_squeeze %parallel_loop3A_550 : memref<1x64x129xf32, #tpu.memory_space<vmem>> -> memref<64x129xf32, #tpu.memory_space<vmem>>
        tpu.vector_store_idx %parallel_loop3A_551[%add3A_19, %parallel_loop3A_499], %parallel_loop3A_546 : memref<64x129xf32, #tpu.memory_space<vmem>>[vector<16xi32>, vector<16xi32>], vector<16xf32>,
      } {sc.loop_unroll_factor = 8 : i64, sc.parallel_access}
      %add3A_323 = arith.constant 0 : i32
      %add3A_324 = arith.addi %mul3A_303, %add3A_323 : i32
      %dma_start3A_325 = arith.constant 1 : i32
      %dma_start3A_326 = arith.constant 0 : i32
      %dma_start3A_327 = arith.constant 0 : i32
      %dma_start3A_328 = tpu.memref_slice %arg7[%dma_start3A_325, %dma_start3A_326, %dma_start3A_327] : memref<2x64x129xf32, #tpu.memory_space<vmem>> -> memref<1x64x129xf32, #tpu.memory_space<vmem>>
      %dma_start3A_329 = tpu.memref_squeeze %dma_start3A_328 : memref<1x64x129xf32, #tpu.memory_space<vmem>> -> memref<64x129xf32, #tpu.memory_space<vmem>>
      %dma_start3A_330 = arith.constant 0 : i32
      %dma_start3A_331 = arith.constant 0 : i32
      %dma_start3A_332 = tpu.memref_slice %dma_start3A_329[%dma_start3A_330, %dma_start3A_331] : memref<64x129xf32, #tpu.memory_space<vmem>> -> memref<8x128xf32, #tpu.memory_space<vmem>>
      %dma_start3A_333 = arith.constant 0 : i32
      %dma_start3A_334 = tpu.memref_slice %arg4[%add3A_324, %dma_start3A_333] : memref<409600x128xf32, #tpu.memory_space<hbm>> -> memref<8x128xf32, #tpu.memory_space<hbm>>
      %dma_start3A_335 = arith.constant 0 : i32
      %dma_start3A_336 = tpu.memref_slice %arg4[%add3A_324, %dma_start3A_335] : memref<409600x128xf32, #tpu.memory_space<hbm>> -> memref<8x128xf32, #tpu.memory_space<hbm>>
      %dma_start3A_337 = arith.constant 0 : i32
      %dma_start3A_338 = arith.constant 0 : i32
      %dma_start3A_339 = tpu.memref_slice %arg7[%dma_start3A_325, %dma_start3A_337, %dma_start3A_338] : memref<2x64x129xf32, #tpu.memory_space<vmem>> -> memref<1x64x129xf32, #tpu.memory_space<vmem>>
      %dma_start3A_340 = tpu.memref_squeeze %dma_start3A_339 : memref<1x64x129xf32, #tpu.memory_space<vmem>> -> memref<64x129xf32, #tpu.memory_space<vmem>>
      %dma_start3A_341 = arith.constant 0 : i32
      %dma_start3A_342 = arith.constant 0 : i32
      %dma_start3A_343 = tpu.memref_slice %dma_start3A_340[%dma_start3A_341, %dma_start3A_342] : memref<64x129xf32, #tpu.memory_space<vmem>> -> memref<8x128xf32, #tpu.memory_space<vmem>>
      tpu.enqueue_dma source(%dma_start3A_343 : memref<8x128xf32, #tpu.memory_space<vmem>>) target(%dma_start3A_336 : memref<8x128xf32, #tpu.memory_space<hbm>>) target_semaphore(%arg11 : memref<!tpu.dma_semaphore, #tpu.memory_space<semaphore_mem>>)
      %add3A_344 = arith.constant 1024 : i32
      %add3A_345 = arith.addi %mul3A_303, %add3A_344 : i32
      %dma_start3A_346 = arith.constant 1 : i32
      %dma_start3A_347 = arith.constant 0 : i32
      %dma_start3A_348 = arith.constant 0 : i32
      %dma_start3A_349 = tpu.memref_slice %arg7[%dma_start3A_346, %dma_start3A_347, %dma_start3A_348] : memref<2x64x129xf32, #tpu.memory_space<vmem>> -> memref<1x64x129xf32, #tpu.memory_space<vmem>>
      %dma_start3A_350 = tpu.memref_squeeze %dma_start3A_349 : memref<1x64x129xf32, #tpu.memory_space<vmem>> -> memref<64x129xf32, #tpu.memory_space<vmem>>
      %dma_start3A_351 = arith.constant 8 : i32
      %dma_start3A_352 = arith.constant 0 : i32
      %dma_start3A_353 = tpu.memref_slice %dma_start3A_350[%dma_start3A_351, %dma_start3A_352] : memref<64x129xf32, #tpu.memory_space<vmem>> -> memref<8x128xf32, #tpu.memory_space<vmem>>
      %dma_start3A_354 = arith.constant 0 : i32
      %dma_start3A_355 = tpu.memref_slice %arg4[%add3A_345, %dma_start3A_354] : memref<409600x128xf32, #tpu.memory_space<hbm>> -> memref<8x128xf32, #tpu.memory_space<hbm>>
      %dma_start3A_356 = arith.constant 0 : i32
      %dma_start3A_357 = tpu.memref_slice %arg4[%add3A_345, %dma_start3A_356] : memref<409600x128xf32, #tpu.memory_space<hbm>> -> memref<8x128xf32, #tpu.memory_space<hbm>>
      %dma_start3A_358 = arith.constant 0 : i32
      %dma_start3A_359 = arith.constant 0 : i32
      %dma_start3A_360 = tpu.memref_slice %arg7[%dma_start3A_346, %dma_start3A_358, %dma_start3A_359] : memref<2x64x129xf32, #tpu.memory_space<vmem>> -> memref<1x64x129xf32, #tpu.memory_space<vmem>>
      %dma_start3A_361 = tpu.memref_squeeze %dma_start3A_360 : memref<1x64x129xf32, #tpu.memory_space<vmem>> -> memref<64x129xf32, #tpu.memory_space<vmem>>
      %dma_start3A_362 = arith.constant 8 : i32
      %dma_start3A_363 = arith.constant 0 : i32
      %dma_start3A_364 = tpu.memref_slice %dma_start3A_361[%dma_start3A_362, %dma_start3A_363] : memref<64x129xf32, #tpu.memory_space<vmem>> -> memref<8x128xf32, #tpu.memory_space<vmem>>
      tpu.enqueue_dma source(%dma_start3A_364 : memref<8x128xf32, #tpu.memory_space<vmem>>) target(%dma_start3A_357 : memref<8x128xf32, #tpu.memory_space<hbm>>) target_semaphore(%arg11 : memref<!tpu.dma_semaphore, #tpu.memory_space<semaphore_mem>>)
      %add3A_365 = arith.constant 2048 : i32
      %add3A_366 = arith.addi %mul3A_303, %add3A_365 : i32
      %dma_start3A_367 = arith.constant 1 : i32
      %dma_start3A_368 = arith.constant 0 : i32
      %dma_start3A_369 = arith.constant 0 : i32
      %dma_start3A_370 = tpu.memref_slice %arg7[%dma_start3A_367, %dma_start3A_368, %dma_start3A_369] : memref<2x64x129xf32, #tpu.memory_space<vmem>> -> memref<1x64x129xf32, #tpu.memory_space<vmem>>
      %dma_start3A_371 = tpu.memref_squeeze %dma_start3A_370 : memref<1x64x129xf32, #tpu.memory_space<vmem>> -> memref<64x129xf32, #tpu.memory_space<vmem>>
      %dma_start3A_372 = arith.constant 16 : i32
      %dma_start3A_373 = arith.constant 0 : i32
      %dma_start3A_374 = tpu.memref_slice %dma_start3A_371[%dma_start3A_372, %dma_start3A_373] : memref<64x129xf32, #tpu.memory_space<vmem>> -> memref<8x128xf32, #tpu.memory_space<vmem>>
      %dma_start3A_375 = arith.constant 0 : i32
      %dma_start3A_376 = tpu.memref_slice %arg4[%add3A_366, %dma_start3A_375] : memref<409600x128xf32, #tpu.memory_space<hbm>> -> memref<8x128xf32, #tpu.memory_space<hbm>>
      %dma_start3A_377 = arith.constant 0 : i32
      %dma_start3A_378 = tpu.memref_slice %arg4[%add3A_366, %dma_start3A_377] : memref<409600x128xf32, #tpu.memory_space<hbm>> -> memref<8x128xf32, #tpu.memory_space<hbm>>
      %dma_start3A_379 = arith.constant 0 : i32
      %dma_start3A_380 = arith.constant 0 : i32
      %dma_start3A_381 = tpu.memref_slice %arg7[%dma_start3A_367, %dma_start3A_379, %dma_start3A_380] : memref<2x64x129xf32, #tpu.memory_space<vmem>> -> memref<1x64x129xf32, #tpu.memory_space<vmem>>
      %dma_start3A_382 = tpu.memref_squeeze %dma_start3A_381 : memref<1x64x129xf32, #tpu.memory_space<vmem>> -> memref<64x129xf32, #tpu.memory_space<vmem>>
      %dma_start3A_383 = arith.constant 16 : i32
      %dma_start3A_384 = arith.constant 0 : i32
      %dma_start3A_385 = tpu.memref_slice %dma_start3A_382[%dma_start3A_383, %dma_start3A_384] : memref<64x129xf32, #tpu.memory_space<vmem>> -> memref<8x128xf32, #tpu.memory_space<vmem>>
      tpu.enqueue_dma source(%dma_start3A_385 : memref<8x128xf32, #tpu.memory_space<vmem>>) target(%dma_start3A_378 : memref<8x128xf32, #tpu.memory_space<hbm>>) target_semaphore(%arg11 : memref<!tpu.dma_semaphore, #tpu.memory_space<semaphore_mem>>)
      %add3A_386 = arith.constant 3072 : i32
      %add3A_387 = arith.addi %mul3A_303, %add3A_386 : i32
      %dma_start3A_388 = arith.constant 1 : i32
      %dma_start3A_389 = arith.constant 0 : i32
      %dma_start3A_390 = arith.constant 0 : i32
      %dma_start3A_391 = tpu.memref_slice %arg7[%dma_start3A_388, %dma_start3A_389, %dma_start3A_390] : memref<2x64x129xf32, #tpu.memory_space<vmem>> -> memref<1x64x129xf32, #tpu.memory_space<vmem>>
      %dma_start3A_392 = tpu.memref_squeeze %dma_start3A_391 : memref<1x64x129xf32, #tpu.memory_space<vmem>> -> memref<64x129xf32, #tpu.memory_space<vmem>>
      %dma_start3A_393 = arith.constant 24 : i32
      %dma_start3A_394 = arith.constant 0 : i32
      %dma_start3A_395 = tpu.memref_slice %dma_start3A_392[%dma_start3A_393, %dma_start3A_394] : memref<64x129xf32, #tpu.memory_space<vmem>> -> memref<8x128xf32, #tpu.memory_space<vmem>>
      %dma_start3A_396 = arith.constant 0 : i32
      %dma_start3A_397 = tpu.memref_slice %arg4[%add3A_387, %dma_start3A_396] : memref<409600x128xf32, #tpu.memory_space<hbm>> -> memref<8x128xf32, #tpu.memory_space<hbm>>
      %dma_start3A_398 = arith.constant 0 : i32
      %dma_start3A_399 = tpu.memref_slice %arg4[%add3A_387, %dma_start3A_398] : memref<409600x128xf32, #tpu.memory_space<hbm>> -> memref<8x128xf32, #tpu.memory_space<hbm>>
      %dma_start3A_400 = arith.constant 0 : i32
      %dma_start3A_401 = arith.constant 0 : i32
      %dma_start3A_402 = tpu.memref_slice %arg7[%dma_start3A_388, %dma_start3A_400, %dma_start3A_401] : memref<2x64x129xf32, #tpu.memory_space<vmem>> -> memref<1x64x129xf32, #tpu.memory_space<vmem>>
      %dma_start3A_403 = tpu.memref_squeeze %dma_start3A_402 : memref<1x64x129xf32, #tpu.memory_space<vmem>> -> memref<64x129xf32, #tpu.memory_space<vmem>>
      %dma_start3A_404 = arith.constant 24 : i32
      %dma_start3A_405 = arith.constant 0 : i32
      %dma_start3A_406 = tpu.memref_slice %dma_start3A_403[%dma_start3A_404, %dma_start3A_405] : memref<64x129xf32, #tpu.memory_space<vmem>> -> memref<8x128xf32, #tpu.memory_space<vmem>>
      tpu.enqueue_dma source(%dma_start3A_406 : memref<8x128xf32, #tpu.memory_space<vmem>>) target(%dma_start3A_399 : memref<8x128xf32, #tpu.memory_space<hbm>>) target_semaphore(%arg11 : memref<!tpu.dma_semaphore, #tpu.memory_space<semaphore_mem>>)
      %add3A_407 = arith.constant 4096 : i32
      %add3A_408 = arith.addi %mul3A_303, %add3A_407 : i32
      %dma_start3A_409 = arith.constant 1 : i32
      %dma_start3A_410 = arith.constant 0 : i32
      %dma_start3A_411 = arith.constant 0 : i32
      %dma_start3A_412 = tpu.memref_slice %arg7[%dma_start3A_409, %dma_start3A_410, %dma_start3A_411] : memref<2x64x129xf32, #tpu.memory_space<vmem>> -> memref<1x64x129xf32, #tpu.memory_space<vmem>>
      %dma_start3A_413 = tpu.memref_squeeze %dma_start3A_412 : memref<1x64x129xf32, #tpu.memory_space<vmem>> -> memref<64x129xf32, #tpu.memory_space<vmem>>
      %dma_start3A_414 = arith.constant 32 : i32
      %dma_start3A_415 = arith.constant 0 : i32
      %dma_start3A_416 = tpu.memref_slice %dma_start3A_413[%dma_start3A_414, %dma_start3A_415] : memref<64x129xf32, #tpu.memory_space<vmem>> -> memref<8x128xf32, #tpu.memory_space<vmem>>
      %dma_start3A_417 = arith.constant 0 : i32
      %dma_start3A_418 = tpu.memref_slice %arg4[%add3A_408, %dma_start3A_417] : memref<409600x128xf32, #tpu.memory_space<hbm>> -> memref<8x128xf32, #tpu.memory_space<hbm>>
      %dma_start3A_419 = arith.constant 0 : i32
      %dma_start3A_420 = tpu.memref_slice %arg4[%add3A_408, %dma_start3A_419] : memref<409600x128xf32, #tpu.memory_space<hbm>> -> memref<8x128xf32, #tpu.memory_space<hbm>>
      %dma_start3A_421 = arith.constant 0 : i32
      %dma_start3A_422 = arith.constant 0 : i32
      %dma_start3A_423 = tpu.memref_slice %arg7[%dma_start3A_409, %dma_start3A_421, %dma_start3A_422] : memref<2x64x129xf32, #tpu.memory_space<vmem>> -> memref<1x64x129xf32, #tpu.memory_space<vmem>>
      %dma_start3A_424 = tpu.memref_squeeze %dma_start3A_423 : memref<1x64x129xf32, #tpu.memory_space<vmem>> -> memref<64x129xf32, #tpu.memory_space<vmem>>
      %dma_start3A_425 = arith.constant 32 : i32
      %dma_start3A_426 = arith.constant 0 : i32
      %dma_start3A_427 = tpu.memref_slice %dma_start3A_424[%dma_start3A_425, %dma_start3A_426] : memref<64x129xf32, #tpu.memory_space<vmem>> -> memref<8x128xf32, #tpu.memory_space<vmem>>
      tpu.enqueue_dma source(%dma_start3A_427 : memref<8x128xf32, #tpu.memory_space<vmem>>) target(%dma_start3A_420 : memref<8x128xf32, #tpu.memory_space<hbm>>) target_semaphore(%arg11 : memref<!tpu.dma_semaphore, #tpu.memory_space<semaphore_mem>>)
      %add3A_428 = arith.constant 5120 : i32
      %add3A_429 = arith.addi %mul3A_303, %add3A_428 : i32
      %dma_start3A_430 = arith.constant 1 : i32
      %dma_start3A_431 = arith.constant 0 : i32
      %dma_start3A_432 = arith.constant 0 : i32
      %dma_start3A_433 = tpu.memref_slice %arg7[%dma_start3A_430, %dma_start3A_431, %dma_start3A_432] : memref<2x64x129xf32, #tpu.memory_space<vmem>> -> memref<1x64x129xf32, #tpu.memory_space<vmem>>
      %dma_start3A_434 = tpu.memref_squeeze %dma_start3A_433 : memref<1x64x129xf32, #tpu.memory_space<vmem>> -> memref<64x129xf32, #tpu.memory_space<vmem>>
      %dma_start3A_435 = arith.constant 40 : i32
      %dma_start3A_436 = arith.constant 0 : i32
      %dma_start3A_437 = tpu.memref_slice %dma_start3A_434[%dma_start3A_435, %dma_start3A_436] : memref<64x129xf32, #tpu.memory_space<vmem>> -> memref<8x128xf32, #tpu.memory_space<vmem>>
      %dma_start3A_438 = arith.constant 0 : i32
      %dma_start3A_439 = tpu.memref_slice %arg4[%add3A_429, %dma_start3A_438] : memref<409600x128xf32, #tpu.memory_space<hbm>> -> memref<8x128xf32, #tpu.memory_space<hbm>>
      %dma_start3A_440 = arith.constant 0 : i32
      %dma_start3A_441 = tpu.memref_slice %arg4[%add3A_429, %dma_start3A_440] : memref<409600x128xf32, #tpu.memory_space<hbm>> -> memref<8x128xf32, #tpu.memory_space<hbm>>
      %dma_start3A_442 = arith.constant 0 : i32
      %dma_start3A_443 = arith.constant 0 : i32
      %dma_start3A_444 = tpu.memref_slice %arg7[%dma_start3A_430, %dma_start3A_442, %dma_start3A_443] : memref<2x64x129xf32, #tpu.memory_space<vmem>> -> memref<1x64x129xf32, #tpu.memory_space<vmem>>
      %dma_start3A_445 = tpu.memref_squeeze %dma_start3A_444 : memref<1x64x129xf32, #tpu.memory_space<vmem>> -> memref<64x129xf32, #tpu.memory_space<vmem>>
      %dma_start3A_446 = arith.constant 40 : i32
      %dma_start3A_447 = arith.constant 0 : i32
      %dma_start3A_448 = tpu.memref_slice %dma_start3A_445[%dma_start3A_446, %dma_start3A_447] : memref<64x129xf32, #tpu.memory_space<vmem>> -> memref<8x128xf32, #tpu.memory_space<vmem>>
      tpu.enqueue_dma source(%dma_start3A_448 : memref<8x128xf32, #tpu.memory_space<vmem>>) target(%dma_start3A_441 : memref<8x128xf32, #tpu.memory_space<hbm>>) target_semaphore(%arg11 : memref<!tpu.dma_semaphore, #tpu.memory_space<semaphore_mem>>)
      %add3A_449 = arith.constant 6144 : i32
      %add3A_450 = arith.addi %mul3A_303, %add3A_449 : i32
      %dma_start3A_451 = arith.constant 1 : i32
      %dma_start3A_452 = arith.constant 0 : i32
      %dma_start3A_453 = arith.constant 0 : i32
      %dma_start3A_454 = tpu.memref_slice %arg7[%dma_start3A_451, %dma_start3A_452, %dma_start3A_453] : memref<2x64x129xf32, #tpu.memory_space<vmem>> -> memref<1x64x129xf32, #tpu.memory_space<vmem>>
      %dma_start3A_455 = tpu.memref_squeeze %dma_start3A_454 : memref<1x64x129xf32, #tpu.memory_space<vmem>> -> memref<64x129xf32, #tpu.memory_space<vmem>>
      %dma_start3A_456 = arith.constant 48 : i32
      %dma_start3A_457 = arith.constant 0 : i32
      %dma_start3A_458 = tpu.memref_slice %dma_start3A_455[%dma_start3A_456, %dma_start3A_457] : memref<64x129xf32, #tpu.memory_space<vmem>> -> memref<8x128xf32, #tpu.memory_space<vmem>>
      %dma_start3A_459 = arith.constant 0 : i32
      %dma_start3A_460 = tpu.memref_slice %arg4[%add3A_450, %dma_start3A_459] : memref<409600x128xf32, #tpu.memory_space<hbm>> -> memref<8x128xf32, #tpu.memory_space<hbm>>
      %dma_start3A_461 = arith.constant 0 : i32
      %dma_start3A_462 = tpu.memref_slice %arg4[%add3A_450, %dma_start3A_461] : memref<409600x128xf32, #tpu.memory_space<hbm>> -> memref<8x128xf32, #tpu.memory_space<hbm>>
      %dma_start3A_463 = arith.constant 0 : i32
      %dma_start3A_464 = arith.constant 0 : i32
      %dma_start3A_465 = tpu.memref_slice %arg7[%dma_start3A_451, %dma_start3A_463, %dma_start3A_464] : memref<2x64x129xf32, #tpu.memory_space<vmem>> -> memref<1x64x129xf32, #tpu.memory_space<vmem>>
      %dma_start3A_466 = tpu.memref_squeeze %dma_start3A_465 : memref<1x64x129xf32, #tpu.memory_space<vmem>> -> memref<64x129xf32, #tpu.memory_space<vmem>>
      %dma_start3A_467 = arith.constant 48 : i32
      %dma_start3A_468 = arith.constant 0 : i32
      %dma_start3A_469 = tpu.memref_slice %dma_start3A_466[%dma_start3A_467, %dma_start3A_468] : memref<64x129xf32, #tpu.memory_space<vmem>> -> memref<8x128xf32, #tpu.memory_space<vmem>>
      tpu.enqueue_dma source(%dma_start3A_469 : memref<8x128xf32, #tpu.memory_space<vmem>>) target(%dma_start3A_462 : memref<8x128xf32, #tpu.memory_space<hbm>>) target_semaphore(%arg11 : memref<!tpu.dma_semaphore, #tpu.memory_space<semaphore_mem>>)
      %add3A_470 = arith.constant 7168 : i32
      %add3A_471 = arith.addi %mul3A_303, %add3A_470 : i32
      %dma_start3A_472 = arith.constant 1 : i32
      %dma_start3A_473 = arith.constant 0 : i32
      %dma_start3A_474 = arith.constant 0 : i32
      %dma_start3A_475 = tpu.memref_slice %arg7[%dma_start3A_472, %dma_start3A_473, %dma_start3A_474] : memref<2x64x129xf32, #tpu.memory_space<vmem>> -> memref<1x64x129xf32, #tpu.memory_space<vmem>>
      %dma_start3A_476 = tpu.memref_squeeze %dma_start3A_475 : memref<1x64x129xf32, #tpu.memory_space<vmem>> -> memref<64x129xf32, #tpu.memory_space<vmem>>
      %dma_start3A_477 = arith.constant 56 : i32
      %dma_start3A_478 = arith.constant 0 : i32
      %dma_start3A_479 = tpu.memref_slice %dma_start3A_476[%dma_start3A_477, %dma_start3A_478] : memref<64x129xf32, #tpu.memory_space<vmem>> -> memref<8x128xf32, #tpu.memory_space<vmem>>
      %dma_start3A_480 = arith.constant 0 : i32
      %dma_start3A_481 = tpu.memref_slice %arg4[%add3A_471, %dma_start3A_480] : memref<409600x128xf32, #tpu.memory_space<hbm>> -> memref<8x128xf32, #tpu.memory_space<hbm>>
      %dma_start3A_482 = arith.constant 0 : i32
      %dma_start3A_483 = tpu.memref_slice %arg4[%add3A_471, %dma_start3A_482] : memref<409600x128xf32, #tpu.memory_space<hbm>> -> memref<8x128xf32, #tpu.memory_space<hbm>>
      %dma_start3A_484 = arith.constant 0 : i32
      %dma_start3A_485 = arith.constant 0 : i32
      %dma_start3A_486 = tpu.memref_slice %arg7[%dma_start3A_472, %dma_start3A_484, %dma_start3A_485] : memref<2x64x129xf32, #tpu.memory_space<vmem>> -> memref<1x64x129xf32, #tpu.memory_space<vmem>>
      %dma_start3A_487 = tpu.memref_squeeze %dma_start3A_486 : memref<1x64x129xf32, #tpu.memory_space<vmem>> -> memref<64x129xf32, #tpu.memory_space<vmem>>
      %dma_start3A_488 = arith.constant 56 : i32
      %dma_start3A_489 = arith.constant 0 : i32
      %dma_start3A_490 = tpu.memref_slice %dma_start3A_487[%dma_start3A_488, %dma_start3A_489] : memref<64x129xf32, #tpu.memory_space<vmem>> -> memref<8x128xf32, #tpu.memory_space<vmem>>
      tpu.enqueue_dma source(%dma_start3A_490 : memref<8x128xf32, #tpu.memory_space<vmem>>) target(%dma_start3A_483 : memref<8x128xf32, #tpu.memory_space<hbm>>) target_semaphore(%arg11 : memref<!tpu.dma_semaphore, #tpu.memory_space<semaphore_mem>>)
      %add3A_491 = arith.constant 2 : i32
      %add3A_492 = arith.addi %add3A_293, %add3A_491 : i32
      %lt3A_493 = arith.constant 200 : i32
      %lt3A_494 = arith.cmpi slt, %add3A_492, %lt3A_493 : i32
      %convert_element_type3A_495 = arith.extui %lt3A_494 : i1 to i32
      %cond3A_496 = arith.constant 0 : i32
      %cond3A_497 = arith.cmpi ne, %convert_element_type3A_495, %cond3A_496 : i32
      scf.if %cond3A_497 {
        %add3A_498 = arith.constant 2 : i32
        %add3A_499 = arith.addi %add3A_293, %add3A_498 : i32
        %dma_start3A_500 = arith.constant 1 : i32
        %dma_start3A_501 = arith.constant 0 : i32
        %dma_start3A_502 = arith.constant 0 : i32
        %dma_start3A_503 = tpu.memref_slice %arg6[%dma_start3A_500, %dma_start3A_501, %dma_start3A_502] : memref<2x128x64xf32, #tpu.memory_space<vmem>> -> memref<1x128x64xf32, #tpu.memory_space<vmem>>
        %dma_start3A_504 = tpu.memref_squeeze %dma_start3A_503 : memref<1x128x64xf32, #tpu.memory_space<vmem>> -> memref<128x64xf32, #tpu.memory_space<vmem>>
        %dma_start3A_505 = arith.constant 0 : i32
        %dma_start3A_506 = tpu.memref_slice %arg5[%add3A_499, %dma_start3A_505] : memref<200x128xi32, #tpu.memory_space<vmem>> -> memref<1x128xi32, #tpu.memory_space<vmem>>
        %dma_start3A_507 = tpu.memref_squeeze %dma_start3A_506 : memref<1x128xi32, #tpu.memory_space<vmem>> -> memref<128xi32, #tpu.memory_space<vmem>>
        %dma_start3A_508 = arith.constant 0 : i32
        %dma_start3A_509 = arith.constant 0 : i32
        %dma_start3A_510 = tpu.memref_slice %arg2[%dma_start3A_508, %dma_start3A_509] : memref<1000000x64xf32, #tpu.memory_space<hbm>> -> memref<1000000x64xf32, #tpu.memory_space<hbm>>
        tpu.enqueue_indirect_dma source(%dma_start3A_510 : memref<1000000x64xf32, #tpu.memory_space<hbm>>) target(%dma_start3A_504 : memref<128x64xf32, #tpu.memory_space<vmem>>) offsets(%dma_start3A_507 : memref<128xi32, #tpu.memory_space<vmem>>) semaphore(%arg9 : memref<!tpu.dma_semaphore, #tpu.memory_space<semaphore_mem>>)
      } else {
      }
    }
    %scan3A_46 = arith.constant 100 : i32
    %dma_wait3A = arith.constant 0 : i32
    %dma_wait3A_47 = arith.constant 0 : i32
    %dma_wait3A_48 = arith.constant 0 : i32
    %dma_wait3A_49 = tpu.memref_slice %arg7[%dma_wait3A, %dma_wait3A_47, %dma_wait3A_48] : memref<2x64x129xf32, #tpu.memory_space<vmem>> -> memref<1x64x129xf32, #tpu.memory_space<vmem>>
    %dma_wait3A_50 = tpu.memref_squeeze %dma_wait3A_49 : memref<1x64x129xf32, #tpu.memory_space<vmem>> -> memref<64x129xf32, #tpu.memory_space<vmem>>
    %dma_wait3A_51 = arith.constant 0 : i32
    %dma_wait3A_52 = arith.constant 0 : i32
    %dma_wait3A_53 = tpu.memref_slice %dma_wait3A_50[%dma_wait3A_51, %dma_wait3A_52] : memref<64x129xf32, #tpu.memory_space<vmem>> -> memref<64x128xf32, #tpu.memory_space<vmem>>
    %dma_wait3A_54 = arith.constant 0 : i32
    %dma_wait3A_55 = arith.constant 0 : i32
    %dma_wait3A_56 = tpu.memref_slice %arg4[%dma_wait3A_54, %dma_wait3A_55] : memref<409600x128xf32, #tpu.memory_space<hbm>> -> memref<64x128xf32, #tpu.memory_space<hbm>>
    %dma_wait3A_57 = arith.constant 0 : i32
    %dma_wait3A_58 = arith.constant 0 : i32
    %dma_wait3A_59 = tpu.memref_slice %arg4[%dma_wait3A_57, %dma_wait3A_58] : memref<409600x128xf32, #tpu.memory_space<hbm>> -> memref<64x128xf32, #tpu.memory_space<hbm>>
    %dma_wait3A_60 = arith.constant 0 : i32
    %dma_wait3A_61 = arith.constant 0 : i32
    %dma_wait3A_62 = tpu.memref_slice %arg7[%dma_wait3A, %dma_wait3A_60, %dma_wait3A_61] : memref<2x64x129xf32, #tpu.memory_space<vmem>> -> memref<1x64x129xf32, #tpu.memory_space<vmem>>
    %dma_wait3A_63 = tpu.memref_squeeze %dma_wait3A_62 : memref<1x64x129xf32, #tpu.memory_space<vmem>> -> memref<64x129xf32, #tpu.memory_space<vmem>>
    %dma_wait3A_64 = arith.constant 0 : i32
    %dma_wait3A_65 = arith.constant 0 : i32
    %dma_wait3A_66 = tpu.memref_slice %dma_wait3A_63[%dma_wait3A_64, %dma_wait3A_65] : memref<64x129xf32, #tpu.memory_space<vmem>> -> memref<64x128xf32, #tpu.memory_space<vmem>>
    tpu.wait_dma2 semaphore(%arg10 : memref<!tpu.dma_semaphore, #tpu.memory_space<semaphore_mem>>) src(%dma_wait3A_66 : memref<64x128xf32, #tpu.memory_space<vmem>>) dst(%dma_wait3A_59 : memref<64x128xf32, #tpu.memory_space<hbm>>)
    %dma_wait3A_67 = arith.constant 1 : i32
    %dma_wait3A_68 = arith.constant 0 : i32
    %dma_wait3A_69 = arith.constant 0 : i32
    %dma_wait3A_70 = tpu.memref_slice %arg7[%dma_wait3A_67, %dma_wait3A_68, %dma_wait3A_69] : memref<2x64x129xf32, #tpu.memory_space<vmem>> -> memref<1x64x129xf32, #tpu.memory_space<vmem>>
    %dma_wait3A_71 = tpu.memref_squeeze %dma_wait3A_70 : memref<1x64x129xf32, #tpu.memory_space<vmem>> -> memref<64x129xf32, #tpu.memory_space<vmem>>
    %dma_wait3A_72 = arith.constant 0 : i32
    %dma_wait3A_73 = arith.constant 0 : i32
    %dma_wait3A_74 = tpu.memref_slice %dma_wait3A_71[%dma_wait3A_72, %dma_wait3A_73] : memref<64x129xf32, #tpu.memory_space<vmem>> -> memref<64x128xf32, #tpu.memory_space<vmem>>
    %dma_wait3A_75 = arith.constant 0 : i32
    %dma_wait3A_76 = arith.constant 0 : i32
    %dma_wait3A_77 = tpu.memref_slice %arg4[%dma_wait3A_75, %dma_wait3A_76] : memref<409600x128xf32, #tpu.memory_space<hbm>> -> memref<64x128xf32, #tpu.memory_space<hbm>>
    %dma_wait3A_78 = arith.constant 0 : i32
    %dma_wait3A_79 = arith.constant 0 : i32
    %dma_wait3A_80 = tpu.memref_slice %arg4[%dma_wait3A_78, %dma_wait3A_79] : memref<409600x128xf32, #tpu.memory_space<hbm>> -> memref<64x128xf32, #tpu.memory_space<hbm>>
    %dma_wait3A_81 = arith.constant 0 : i32
    %dma_wait3A_82 = arith.constant 0 : i32
    %dma_wait3A_83 = tpu.memref_slice %arg7[%dma_wait3A_67, %dma_wait3A_81, %dma_wait3A_82] : memref<2x64x129xf32, #tpu.memory_space<vmem>> -> memref<1x64x129xf32, #tpu.memory_space<vmem>>
    %dma_wait3A_84 = tpu.memref_squeeze %dma_wait3A_83 : memref<1x64x129xf32, #tpu.memory_space<vmem>> -> memref<64x129xf32, #tpu.memory_space<vmem>>
    %dma_wait3A_85 = arith.constant 0 : i32
    %dma_wait3A_86 = arith.constant 0 : i32
    %dma_wait3A_87 = tpu.memref_slice %dma_wait3A_84[%dma_wait3A_85, %dma_wait3A_86] : memref<64x129xf32, #tpu.memory_space<vmem>> -> memref<64x128xf32, #tpu.memory_space<vmem>>
    tpu.wait_dma2 semaphore(%arg11 : memref<!tpu.dma_semaphore, #tpu.memory_space<semaphore_mem>>) src(%dma_wait3A_87 : memref<64x128xf32, #tpu.memory_space<vmem>>) dst(%dma_wait3A_80 : memref<64x128xf32, #tpu.memory_space<hbm>>)
    return
  }
}

</mosaic_0001>

<sc_bundles>
// kernel: kernel.3.cloned.1.call-start
scs
__scs_entry_jumppad:
0x0: {  	(pc) =	sbr.rel $0x88, $3  }
0x1: {  	(tag) =	ssettag $0x0;
	lr =	simm.s32 $0x1  }
0x2: {  	[smem:$0x3F9F] =	sst lr;
	_ =	strace $0xD0000000  }
0x3: {  	_ = 	snop  }
0x4: {  	_ = 	snop  }
0x5: {  	_ = 	snop  }
0x6: {  	_ = 	snop  }
0x7: {  	_ = 	snop  }
__scs_overlays_trampoline_lowered:
0x8: {  	[smem:$0x3FAE] =	sst s0  }
0x9: {  	[smem:$0x3FAF] =	sst s1  }
0xa: {  	[smem:$0x3FB0] =	sst s2  }
0xb: {  	[smem:$0x3FB1] =	sst s3  }
0xc: {  	[smem:$0x3FB2] =	sst s4  }
0xd: {  	[smem:$0x3FB3] =	sst s5  }
0xe: {  	[smem:$0x3FB4] =	sst s6  }
0xf: {  	[smem:$0x3FB5] =	sst s7  }
0x10: {  	[smem:$0x3FB6] =	sst s8  }
0x11: {  	[smem:$0x3FB7] =	sst s9;
	s0 =	simm.s32 @!p0 $0x0  }
0x12: {  	s1 =	sld [smem:$0x3F9D];
	s0 =	simm.s32 @p0 $0x1  }
0x13: {  	[smem:$0x3FB8] =	sst s0;
	s0 =	simm.s32 @!p1 $0x0  }
0x14: {  	s2 =	sld [smem:$0x3F9C];
	s0 =	simm.s32 @p1 $0x1  }
0x15: {  	[smem:$0x3FB9] =	sst s0;
	s0 =	simm.s32 @!p2 $0x0  }
0x16: {  	s3 =	sld [smem:$0x3FDB];
	s0 =	simm.s32 @p2 $0x1  }
0x17: {  	s4 =	simm.s32 $0x1BF5;
	[smem:$0x3FBB] =	sst s0  }
0x18: {  	s0 =	sld [smem:$0x3F9E];
	_ =	swait.ge [sflag:s4], $0x0  }
0x19: {  	s7 =	sld [smem:$0x3F9F]  }
0x1a: {  	s8 =	sadd.s32 $0xFFFFE003, lr  }
0x1b: {  	s9 =	sadd.s32 $0xFFFFFEF7, lr;
	s5 =	simm.s32 $0xFFFFFFFF;
	p2 =	slt.u32 s8, $0xFFFFF086  }
0x1c: {  	p1 =	slt.u32 s9, $0xF7A;
	s5 =	simm.s32 @!p2 $0x0  }
0x1d: {  	s5 =	simm.s32 @p1 $0x1;
	p0 =	seq.s32 s7, s2  }
0x1e: {  	s7 =	smul.u32 @!p0 $0xF7A, s2;
	p2 =	seq.s32 @!p0 s5, $0x0  }
0x1f: {  	s9 =	smul.u32 $0xF7A, s1;
	s8 =	simm.s32 @!p0 $0x1BF5;
	p2 =	por !p2, p0  }
0x20: {  	[sflag:s8] =	ssyncset.s32 @!p0 $0xFFFFF086;
	s6 =	sadd.s32 @!p0 s3, s7;
	s7 =	simm.s32 @!p0 $0x108  }
0x21: {  	s3 =	sadd.s32 s3, s9;
	s6 =	sadd.s32 @!p0 $0x88, s6;
	s7 =	simm.s32 @p2 $0x1082  }
0x22: {  	[simem:s7], [sflag:s8] =	dma.local @!p0 [hbm:s6], $0xF7A  }
0x23: {  	s9 =	sor.u32 $0xD0000000, s2;
	s6 =	simm.s32 $0x108;
	_ =	swait.ge @!p0 [sflag:s8], $0x0  }
0x24: {  	s3 =	sadd.s32 $0x88, s3;
	s6 =	simm.s32 @!p1 $0x1082;
	[sflag:s4] =	ssyncset.s32 $0xFFFFF086  }
0x25: {  	[simem:s6], [sflag:s4] =	dma.local [hbm:s3], $0xF7A  }
0x26: {  	[smem:$0x3F9F] =	sst s1;
	(tag) =	ssettag s2;
	_ =	strace s9  }
0x27: {  	s1 =	sld [smem:$0x3FAF]  }
0x28: {  	s2 =	sld [smem:$0x3FB0]  }
0x29: {  	s4 =	sld [smem:$0x3FB2]  }
0x2a: {  	p0 =	seq.s32 s5, $0x0;
	s5 =	sld [smem:$0x3FB3]  }
0x2b: {  	s6 =	sld [smem:$0x3FB4]  }
0x2c: {  	s7 =	sld [smem:$0x3FB5]  }
0x2d: {  	s3 =	simm.s32 $0x108;
	s8 =	sld [smem:$0x3FB6]  }
0x2e: {  	s3 =	simm.s32 @!p0 $0x1082;
	s9 =	sld [smem:$0x3FB7]  }
0x2f: {  	lr =	sadd.s32 s0, s3;
	s0 =	sld [smem:$0x3FAE]  }
0x30: {  	s3 =	sld [smem:$0x3FB1]  }
0x31: {  	[smem:$0x3FBA] =	sst s10  }
0x32: {  	s10 =	sld [smem:$0x3FB8];
	_ =	sdelay $0x3  }
0x33: {  	p0 =	seq.s32 s10, $0x1;
	s10 =	sld [smem:$0x3FBA];
	_ =	sdelay $0x3  }
0x34: {  	[smem:$0x3FBA] =	sst s10  }
0x35: {  	s10 =	sld [smem:$0x3FB9];
	_ =	sdelay $0x3  }
0x36: {  	p1 =	seq.s32 s10, $0x1;
	s10 =	sld [smem:$0x3FBA];
	_ =	sdelay $0x3  }
0x37: {  	[smem:$0x3FBA] =	sst s10  }
0x38: {  	s10 =	sld [smem:$0x3FBB]  }
0x39: {  	_ = 	snop;
	(pc) =	sbr.ind lr, $3  }
0x3a: {  	_ = 	snop  }
0x3b: {  	_ = 	snop  }
0x3c: {  	p2 =	seq.s32 s10, $0x1;
	s10 =	sld [smem:$0x3FBA]  }
0x3d: {  	_ =	shalt  }
0x3e: {  	_ =	shalt  }
0x3f: {  	_ =	shalt  }
0x40: {  	_ =	shalt  }
0x41: {  	_ =	shalt  }
0x42: {  	_ =	shalt  }
0x43: {  	_ =	shalt  }
0x44: {  	_ =	shalt  }
0x45: {  	_ =	shalt  }
0x46: {  	_ =	shalt  }
0x47: {  	_ =	shalt  }
0x48: {  	_ =	shalt  }
0x49: {  	_ =	shalt  }
0x4a: {  	_ =	shalt  }
0x4b: {  	_ =	shalt  }
0x4c: {  	_ =	shalt  }
0x4d: {  	_ =	shalt  }
0x4e: {  	_ =	shalt  }
0x4f: {  	_ =	shalt  }
0x50: {  	_ =	shalt  }
0x51: {  	_ =	shalt  }
0x52: {  	_ =	shalt  }
0x53: {  	_ =	shalt  }
0x54: {  	_ =	shalt  }
0x55: {  	_ =	shalt  }
0x56: {  	_ =	shalt  }
0x57: {  	_ =	shalt  }
0x58: {  	_ =	shalt  }
0x59: {  	_ =	shalt  }
0x5a: {  	_ =	shalt  }
0x5b: {  	_ =	shalt  }
0x5c: {  	_ =	shalt  }
0x5d: {  	_ =	shalt  }
0x5e: {  	_ =	shalt  }
0x5f: {  	_ =	shalt  }
0x60: {  	_ =	shalt  }
0x61: {  	_ =	shalt  }
0x62: {  	_ =	shalt  }
0x63: {  	_ =	shalt  }
0x64: {  	_ =	shalt  }
0x65: {  	_ =	shalt  }
0x66: {  	_ =	shalt  }
0x67: {  	_ =	shalt  }
0x68: {  	_ =	shalt  }
0x69: {  	_ =	shalt  }
0x6a: {  	_ =	shalt  }
0x6b: {  	_ =	shalt  }
0x6c: {  	_ =	shalt  }
0x6d: {  	_ =	shalt  }
0x6e: {  	_ =	shalt  }
0x6f: {  	_ =	shalt  }
0x70: {  	_ =	shalt  }
0x71: {  	_ =	shalt  }
0x72: {  	_ =	shalt  }
0x73: {  	_ =	shalt  }
0x74: {  	_ =	shalt  }
0x75: {  	_ =	shalt  }
0x76: {  	_ =	shalt  }
0x77: {  	_ =	shalt  }
0x78: {  	_ =	shalt  }
0x79: {  	_ =	shalt  }
0x7a: {  	_ =	shalt  }
0x7b: {  	_ =	shalt  }
0x7c: {  	_ =	shalt  }
0x7d: {  	_ =	shalt  }
0x7e: {  	_ =	shalt  }
0x7f: {  	_ =	shalt  }
0x80: {  	_ =	shalt  }
0x81: {  	_ =	shalt  }
0x82: {  	_ =	shalt  }
0x83: {  	_ =	shalt  }
0x84: {  	_ =	shalt  }
0x85: {  	_ =	shalt  }
0x86: {  	_ =	shalt  }
0x87: {  	_ =	shalt  }
.Lfunc_end0:
.L_simem_size_0:
called_computation_lowered:
.L_overlay_start_0:
0x88: {  	s2 =	sld [smem:$0x3FD9]  }
0x89: {  	s3 =	sld [smem:$0x3FFE];
	_ =	sdelay $0x1  }
0x8a: {  	s1 =	srdreg.scid  }
0x8b: {  	s0 =	sand.u32 $0x1, s1  }
0x8c: {  	s17 =	sshll.u32 s0, $0xA;
	s2 =	sadd.s32 s3, s2  }
0x8d: {  	s2 =	sadd.s32 s2, s17  }
0x8e: {  	[smem:$0x3FC6] =	sst s2  }
0x8f: {  	_ = 	snop  }
0x90: {  	s2 =	sld [smem:$0x3FD0];
	(tm) =	ssettm $0x1  }
0x91: {  	s18 =	sld [smem:$0x3FFB];
	_ =	sdelay $0x3  }
0x92: {  	_ =	strace s18  }
0x93: {  	s3 =	sld [smem:$0x3FFC];
	_ =	sdelay $0x3  }
0x94: {  	_ =	strace s3  }
0x95: {  	s3 =	sld [smem:$0x3FFD];
	_ =	sdelay $0x3  }
0x96: {  	_ =	strace s3  }
0x97: {  	_ =	strace $0x8FFFFFFF  }
0x98: {  	s19 =	sld [smem:$0x3FDB];
	_ =	sdelay $0x1  }
0x99: {  	s4 =	simm.s32 $_scs_section_size  }
0x9a: {  	s5 =	simm.s32 $_size__tile_overlayer_lowered;
	s6 =	simm.s32 $_tile_overlayer_lowered  }
0x9b: {  	s22 =	simm.s32 $0x1BFF;
	s21 =	sshll.u32 s6, $0x1;
	s3 =	sadd.s32 s4, s19  }
0x9c: {  	s7 =	simm.s32 $0x0;
	s20 =	sshll.u32 s5, $0x1;
	s5 =	sadd.s32 s21, s3  }
0x9d: {  	[timem:s7], [sflag:s22] =	dma.local [hbm:s5], s20  }
0x9e: {  	_ =	swait.ge [sflag:s22], s20  }
0x9f: {  	s4 =	ssub.s32 $0x0, s20;
	[sflag:s22] =	ssyncset.done $0x0  }
0xa0: {  	[sflag:s22] =	ssyncadd.s32 s4;
	_ =	sdelay $0x1  }
0xa1: {  	s23 =	simm.s32 $0x1B8B  }
0xa2: {  	_ =	swait.ge [sflag:s23], $0x1  }
0xa3: {  	[sflag:s23] =	ssyncset.done $0x0  }
0xa4: {  	s25 =	simm.s32 $0x1B8E;
	s24 =	sld [smem:$0x3FFE];
	[sflag:s23] =	ssyncadd.s32 $0xFFFFFFFF  }
0xa5: {  	s26 =	simm.s32 $execute0_lowered;
	[smem:$0x3FD2] =	sst s25  }
0xa6: {  	s5 =	sshll.u32 s26, $0x1;
	_ =	strace $0x80000046;
	[dreg:$0x1] =	wrdreg $0xFFFFFFFF  }
0xa7: {  	s28 =	simm.s32 $_size_execute0_lowered;
	s3 =	sadd.s32 s3, s5;
	[dreg:$0x0] =	wrdreg $0x0  }
0xa8: {  	s5 =	sshll.u32 s28, $0x1;
	[dreg:$0x2] =	wrdreg s3  }
0xa9: {  	[dreg:$0x3] =	wrdreg s5  }
0xaa: {  	[dreg:$0x4] =	wrdreg $0xC0  }
0xab: {  	_ =	task [dreg:s7], $0x5FFFF  }
0xac: {  	[dreg:$0x1] =	wrdreg $0xFFFFFFFF  }
0xad: {  	[dreg:$0x0] =	wrdreg $0x60  }
0xae: {  	[dreg:$0x2] =	wrdreg s24  }
0xaf: {  	[dreg:$0x3] =	wrdreg s2  }
0xb0: {  	[dreg:$0x4] =	wrdreg $0x9  }
0xb1: {  	_ =	task.clear_ibuf [dreg:s7], $0x5FFFF;
	_ =	strace $0x90000046  }
0xb2: {  	s29 =	simm.s32 $0x9;
	_ =	strace $0x80000048  }
0xb3: {  	_ =	swait.ge [sflag:s29], $0x1  }
0xb4: {  	[sflag:s29] =	ssyncadd.s32 $0xFFFFFFFF  }
0xb5: {  	_ =	strace $0x90000048  }
0xb6: {  	_ =	sfence  }
0xb7: {  	s30 =	sld [smem:$0x0];
	_ =	sdelay $0x2  }
0xb8: {  	s31 =	sshll.u32 s1, $0xD;
	s1 =	sshrl.u32 s1, $0x2  }
0xb9: {  	s3 =	sand.u32 $0x4000, s31;
	s1 =	sadd.s32 s1, s30  }
0xba: {  	s0 =	sor.u32 s3, s0;
	s1 =	sshll.u32 s1, $0x11  }
0xbb: {  	s0 =	sor.u32 s1, s0  }
0xbc: {  	s0 =	sadd.s32 $0x8F2B, s0  }
0xbd: {  	[sflag:s0] =	ssyncadd.remote.s32 $0x1  }
0xbe: {  	_ =	sfence.sel $0xFFFF  }
0xbf: {  	[dreg:$0x0] =	wrdreg $0xFFFFFFFF;
	(pc) =	sbr.abs _section_cstart, $3  }
0xc0: {  	[dreg:$0x1] =	wrdreg $0xFFFFFFFF  }
0xc1: {  	_ =	task.clear_ibuf [dreg:s7], $0x2FFFF;
	_ =	strace $0x9FFFFFFF  }
0xc2: {  	(tm) =	ssettm $0x7FFFFFFF  }
0xc3: {  	_ =	shalt  }
tec
execute0_lowered:
.L_overlay_start_1:
0x0: {  	(tag) =	ssettag $0x1  }
0x1: {  	s0 =	rddreg [dreg:$0x0];
	s1 =	srdreg.scid  }
0x2: {  	s3 =	stileid.u32;
	s2 =	rddreg [dreg:$0x1];
	v0 =	vlaneseq.u32  }
0x3: {  	s19 =	simm.s32 $0x1;
	s20 =	simm.s32 $0xA400;
	s17 =	simm.s32 $0xC600;
	v0 =	vmul.u32 $0x88, v0  }
0x4: {  	v1 =	vimm.s32 $0x0;
	vm0 =	vcmask $0x300;
	s24 =	simm.s32 $0xE3C0;
	s16 =	simm.s32 $0xE448;
	s25 =	simm.s32 $0xE4D0  }
0x5: {  	s28 =	simm.s32 $0xE5E0;
	s29 =	simm.s32 $0xE668;
	s30 =	simm.s32 $0xE6F0;
	v1 =	vsel vm0, $0x3, v1;
	v2 =	vadd.s32 $0x880, v0  }
0x6: {  	s31 =	simm.s32 $0xE778;
	s14 =	simm.s32 $0x0;
	s23 =	simm.s32 $0x80;
	v3 =	vadd.s32 $0x1100, v0;
	v4 =	vadd.s32 $0x1980, v0;
	v5 =	vor.u32 $0x1, v0  }
0x7: {  	s1 =	sand.u32 $0x1, s1;
	s4 =	sshll.u32 s3, $0x1;
	s3 =	simm.s32 $0x0;
	v6 =	vadd.s32 $0x881, v0;
	v7 =	vadd.s32 $0x1101, v0;
	v8 =	vadd.s32 $0x1981, v0  }
0x8: {  	s8 =	sadd.s32 $0x8000, s2;
	s9 =	sadd.s32 $0xC000, s2;
	s10 =	sadd.s32 $0x10000, s2;
	v9 =	vor.u32 $0x2, v0;
	v10 =	vadd.s32 $0x882, v0;
	v11 =	vadd.s32 $0x1102, v0  }
0x9: {  	s11 =	sadd.s32 $0x14000, s2;
	s12 =	sadd.s32 $0x18000, s2;
	s5 =	sor.u32 s1, s4;
	v12 =	vadd.s32 $0x1982, v0;
	v13 =	vor.u32 $0x3, v0;
	v14 =	vadd.s32 $0x883, v0  }
0xa: {  	s13 =	sadd.s32 $0x1C000, s2;
	s1 =	ssub.s32 $0x2, s1;
	s6 =	smul.u32 $0xC80, s5;
	v15 =	vadd.s32 $0x1103, v0;
	v16 =	vadd.s32 $0x1983, v0;
	v17 =	vor.u32 $0x4, v0  }
.Ltmp0:
0xb: {  	[smem:$0x7FF] =	sst s3;
	s7 =	sshrl.u32 s1, $0x1;
	v18 =	vadd.s32 $0x884, v0;
	v19 =	vadd.s32 $0x1104, v0;
	v20 =	vadd.s32 $0x1984, v0;
	(pc) =	sbr.rel .LBB2_1-.Ltmp0, $4  }
0xc: {  	s4 =	sadd.s32 $0xF42A00, s0;
	_ =	strace $0x80000047;
	v21 =	vor.u32 $0x5, v0;
	v22 =	vadd.s32 $0x885, v0;
	v23 =	vadd.s32 $0x1105, v0;
	s1 =	ssub.s32 s1, s7  }
0xd: {  	s5 =	smul.u32 $0xC8, s5;
	v24 =	vadd.s32 $0x1985, v0;
	v25 =	vor.u32 $0x6, v0;
	v26 =	vadd.s32 $0x886, v0;
	s0 =	sadd.s32 s6, s0;
	s26 =	smax.u32 s1, $0x1  }
0xe: {  	v27 =	vadd.s32 $0x1106, v0;
	v28 =	vadd.s32 $0x1986, v0;
	v29 =	vor.u32 $0x7, v0;
	s7 =	sadd.s32 $0x4000, s2;
	s0 =	sadd.s32 $0x600, s0;
	[dreg:$0x4] =	wrdreg s26  }
0xf: {  	v30 =	vadd.s32 $0x887, v0;
	v31 =	vadd.s32 $0x1107, v0;
	v32 =	vadd.s32 $0x1987, v0;
	s26 =	simm.s32 $0xE558;
	[dreg:$0x3] =	wrdreg s0;
	s0 =	simm.s32 $0x2  }
.LBB2_8:
0x10: {  	s1 =	simm.s32 $0x3  }
0x11: {  	_ =	swait.ge [sflag:s1], $0x2000  }
0x12: {  	[sflag:s1] =	ssyncset.done $0x0  }
0x13: {  	s6 =	simm.s32 $0x4;
	[sflag:s1] =	ssyncadd.s32 $0xFFFFE000  }
0x14: {  	_ =	swait.ge [sflag:s6], $0x2000  }
0x15: {  	s14 =	rddreg [dreg:$0x5]  }
0x16: {  	s22 =	rddreg [dreg:$0x4];
	s14 =	sadd.s32 $0x1, s14  }
0x17: {  	p0 =	sne.s32 s14, s22  }
.Ltmp1:
0x18: {  	_ = 	snop;
	(pc) =	sbr.rel @!p0 .LBB2_9-.Ltmp1, $3  }
0x19: {  	_ =	sdelay $0x1  }
0x1a: {  	[sflag:s6] =	ssyncset.done $0x0  }
0x1b: {  	[sflag:s6] =	ssyncadd.s32 $0xFFFFE000  }
.LBB2_1:
0x1c: {  	[dreg:$0x5] =	wrdreg s14  }
0x1d: {  	s1 =	rddreg [dreg:$0x3];
	s18 =	simm.s32 $0x5  }
0x1e: {  	[tilespmem:s3], [sflag:$0x5] =	stream.linear.gather [hbm4b:s1+s3], $0x6400, $0x38;
	[tilespmem:$0xE800] =	vst v63  }
0x1f: {  	_ =	swait.ge [sflag:s18], $0x6400  }
0x20: {  	[sflag:s18] =	ssyncset.done $0x0  }
0x21: {  	s21 =	simm.s32 $0x80;
	s6 =	simm.s32 $0x6400;
	[sflag:s18] =	ssyncadd.s32 $0xFFFF9C00  }
0x22: {  	[tilespmem:s6], [sflag:$0x1] =	stream.indirect.gather [hbm4b:s4+s21], $0x40, s3, s21, $0xb8;
	[tilespmem:$0xE800] =	vst v63  }
0x23: {  	s22 =	simm.s32 $0x8400;
	s1 =	simm.s32 $0x0  }
0x24: {  	[tilespmem:s22], [sflag:$0x2] =	stream.indirect.gather [hbm4b:s4+s21], $0x40, s21, s21, $0xb8;
	[tilespmem:$0xE800] =	vst v63  }
.LBB2_2:
0x25: {  	s18 =	simm.s32 $0x1  }
0x26: {  	s14 =	simm.s32 $0x2;
	s21 =	simm.s32 $0x3;
	s15 =	simm.s32 $0x7;
	v34 =	vmov s18  }
0x27: {  	_ =	swait.ge [sflag:s19], $0x2000;
	s22 =	simm.s32 $0x4;
	v35 =	vmov s14;
	v36 =	vmov s21;
	s18 =	simm.s32 $0x5;
	v38 =	vmov s15  }
0x28: {  	p0 =	seq.s32 s1, $0x0;
	[sflag:s19] =	ssyncset.done $0x0;
	v37 =	vmov s22;
	s21 =	simm.s32 $0x6;
	v39 =	vmov s18;
	v38 =	vshrl.u32 v38, $0x3  }
0x29: {  	s14 =	simm.s32 @!p0 $0x3;
	[sflag:s19] =	ssyncadd.s32 $0xFFFFE000;
	v40 =	vmov s21;
	v34 =	vshrl.u32 v34, $0x3;
	v35 =	vshrl.u32 v35, $0x3  }
0x2a: {  	v36 =	vshrl.u32 v36, $0x3;
	v37 =	vshrl.u32 v37, $0x3;
	_ =	swait.ge @!p0 [sflag:s14], $0x2000;
	v38 =	vshll.u32 v38, v1  }
0x2b: {  	v34 =	vshll.u32 v34, v1;
	v58 =	vshll.u32 v35, v1;
	[sflag:s14] =	ssyncset.done @!p0 $0x0;
	v38 =	vbroadcast v38, $0x0  }
0x2c: {  	s15 =	simm.s32 $0x6500;
	v59 =	vshll.u32 v36, v1;
	v60 =	vshll.u32 v37, v1;
	v48 =	vbroadcast v34, $0x0;
	[sflag:s14] =	ssyncadd.s32 @!p0 $0xFFFFE000  }
0x2d: {  	v61 =	vshrl.u32 v39, $0x3;
	v54 =	vbroadcast v58, $0x0;
	v41 =	vld [tilespmem:s15+$0xC0];
	v42 =	vadd.s32 v29, v38  }
0x2e: {  	v40 =	vshrl.u32 v40, $0x3;
	v35 =	vbroadcast v59, $0x0;
	v45 =	vld [tilespmem:s15+$0xFFFFFF40];
	v46 =	vadd.s32 v5, v48  }
0x2f: {  	v34 =	vbroadcast v60, $0x0;
	v36 =	vshll.u32 v61, v1;
	v47 =	vld [tilespmem:s15+$0xFFFFFF80];
	v49 =	vadd.s32 v9, v54  }
0x30: {  	s6 =	simm.s32 $0x0;
	v53 =	vshll.u32 v40, v1;
	v37 =	vbroadcast v36, $0x0;
	v62 =	vld [tilespmem:s15+$0xFFFFFFC0];
	v50 =	vadd.s32 v13, v35  }
0x31: {  	v33 =	vmov s6;
	v36 =	vbroadcast v53, $0x0;
	v51 =	vld [tilespmem:s15+$0x0];
	v52 =	vadd.s32 v17, v34  }
0x32: {  	v33 =	vshrl.u32 v33, $0x3;
	v56 =	vld [tilespmem:s15+$0x40];
	v57 =	vadd.s32 v21, v37;
	[tilespmem:v42+s20+$0x0] =	vst.idx.msk $0xffff, v41  }
0x33: {  	v33 =	vshll.u32 v33, v1;
	v63 =	vld [tilespmem:s15+$0x80];
	v58 =	vadd.s32 v25, v36;
	[tilespmem:v46+s20+$0x0] =	vst.idx.msk $0xffff, v45  }
0x34: {  	v33 =	vbroadcast v33, $0x0;
	v55 =	vadd.s32 v30, v38;
	[tilespmem:v49+s20+$0x0] =	vst.idx.msk $0xffff, v47;
	v40 =	vld [tilespmem:s15+$0xD0]  }
0x35: {  	v59 =	vadd.s32 v6, v48;
	[tilespmem:v50+s20+$0x0] =	vst.idx.msk $0xffff, v62;
	v46 =	vld [tilespmem:s15+$0xFFFFFF50]  }
0x36: {  	v43 =	vld [tilespmem:s15+$0xFFFFFF00];
	v44 =	vadd.s32 v0, v33;
	[tilespmem:v52+s20+$0x0] =	vst.idx.msk $0xffff, v51  }
0x37: {  	v61 =	vadd.s32 v10, v54;
	v60 =	vld [tilespmem:s15+$0xFFFFFF90];
	[tilespmem:v57+s20+$0x0] =	vst.idx.msk $0xffff, v56  }
0x38: {  	v62 =	vadd.s32 v14, v35;
	v50 =	vld [tilespmem:s15+$0xFFFFFFD0];
	[tilespmem:v58+s20+$0x0] =	vst.idx.msk $0xffff, v63  }
0x39: {  	v56 =	vld [tilespmem:s15+$0x10];
	v57 =	vadd.s32 v18, v34;
	[tilespmem:v55+s20+$0x0] =	vst.idx.msk $0xffff, v40  }
0x3a: {  	v58 =	vld [tilespmem:s15+$0x50];
	[tilespmem:v59+s20+$0x0] =	vst.idx.msk $0xffff, v46;
	v59 =	vadd.s32 v22, v37  }
0x3b: {  	[tilespmem:v44+s20+$0x0] =	vst.idx.msk $0xffff, v43;
	v55 =	vadd.s32 v31, v38;
	v40 =	vld [tilespmem:s15+$0xE0]  }
0x3c: {  	v47 =	vld [tilespmem:s15+$0xFFFFFF10];
	v63 =	vadd.s32 v2, v33;
	[tilespmem:v61+s20+$0x0] =	vst.idx.msk $0xffff, v60  }
0x3d: {  	v39 =	vld [tilespmem:s15+$0x90];
	v46 =	vadd.s32 v26, v36;
	[tilespmem:v62+s20+$0x0] =	vst.idx.msk $0xffff, v50  }
0x3e: {  	v60 =	vadd.s32 v7, v48;
	[tilespmem:v57+s20+$0x0] =	vst.idx.msk $0xffff, v56;
	v50 =	vld [tilespmem:s15+$0xFFFFFF60]  }
0x3f: {  	v53 =	vadd.s32 v11, v54;
	v62 =	vld [tilespmem:s15+$0xFFFFFFA0];
	[tilespmem:v59+s20+$0x0] =	vst.idx.msk $0xffff, v58  }
0x40: {  	v57 =	vld [tilespmem:s15+$0x20];
	v58 =	vadd.s32 v19, v34;
	[tilespmem:v55+s20+$0x0] =	vst.idx.msk $0xffff, v40  }
0x41: {  	v38 =	vadd.s32 v32, v38;
	[tilespmem:v63+s20+$0x0] =	vst.idx.msk $0xffff, v47;
	v61 =	vld [tilespmem:s15+$0xF0]  }
0x42: {  	s22 =	simm.s32 $0x8;
	v56 =	vadd.s32 v15, v35;
	[tilespmem:v46+s20+$0x0] =	vst.idx.msk $0xffff, v39;
	v55 =	vld [tilespmem:s15+$0xFFFFFFE0]  }
0x43: {  	s6 =	sshll.u32 s1, $0x1;
	s18 =	simm.s32 $0x9;
	v42 =	vadd.s32 v23, v37;
	v63 =	vmov s22;
	s22 =	simm.s32 $0xB;
	[tilespmem:v60+s20+$0x0] =	vst.idx.msk $0xffff, v50;
	v40 =	vld [tilespmem:s15+$0x60]  }
0x44: {  	s21 =	sadd.s32 s5, s6;
	v45 =	vadd.s32 v27, v36;
	v43 =	vmov s22;
	s22 =	simm.s32 $0xC;
	v46 =	vmov s18;
	s18 =	simm.s32 $0xA;
	v41 =	vld [tilespmem:s15+$0xA0];
	[tilespmem:v53+s20+$0x0] =	vst.idx.msk $0xffff, v62  }
0x45: {  	v52 =	vadd.s32 v3, v33;
	v47 =	vld [tilespmem:s15+$0xFFFFFF20];
	v44 =	vmov s22;
	s22 =	simm.s32 $0xD;
	v49 =	vmov s18;
	s18 =	sshll.u32 s21, $0x3;
	[tilespmem:v58+s20+$0x0] =	vst.idx.msk $0xffff, v57  }
0x46: {  	v39 =	vshrl.u32 v63, $0x3;
	s21 =	sand.u32 $0x7E, s21;
	v53 =	vadd.s32 v8, v48;
	s18 =	sand.u32 $0x3FFC00, s18;
	v50 =	vld [tilespmem:s15+$0xFFFFFF70];
	[tilespmem:v38+s20+$0x0] =	vst.idx.msk $0xffff, v61;
	v38 =	vmov s22;
	s22 =	simm.s32 $0xE  }
0x47: {  	v54 =	vadd.s32 v12, v54;
	v48 =	vshll.u32 v39, v1;
	v51 =	vld [tilespmem:s15+$0xFFFFFFB0];
	s14 =	sor.u32 s21, s18;
	s21 =	simm.s32 $0xF;
	s18 =	simm.s32 $0x10;
	[tilespmem:v56+s20+$0x0] =	vst.idx.msk $0xffff, v55;
	v39 =	vmov s22  }
.LBB2_3:
0x48: {  	p1 =	slt.u32 s18, $0x78;
	v46 =	vshrl.u32 v46, $0x3;
	v55 =	vmov s21;
	v56 =	vld [tilespmem:s15+$0xFFFFFFF0];
	v35 =	vadd.s32 v16, v35;
	[tilespmem:v42+s20+$0x0] =	vst.idx.msk $0xffff, v40  }
0x49: {  	v40 =	vshrl.u32 v49, $0x3;
	v34 =	vadd.s32 v20, v34;
	v42 =	vshrl.u32 v55, $0x3;
	v49 =	vld [tilespmem:s15+$0x30];
	[tilespmem:v45+s20+$0x0] =	vst.idx.msk $0xffff, v41  }
0x4a: {  	v37 =	vadd.s32 v24, v37;
	v41 =	vshrl.u32 v43, $0x3;
	v42 =	vshll.u32 v42, v1;
	[tilespmem:v52+s20+$0x0] =	vst.idx.msk $0xffff, v47;
	v43 =	vld [tilespmem:s15+$0x70]  }
0x4b: {  	v44 =	vshrl.u32 v44, $0x3;
	v36 =	vadd.s32 v28, v36;
	v42 =	vbroadcast v42, $0x0;
	[tilespmem:v53+s20+$0x0] =	vst.idx.msk $0xffff, v50;
	v45 =	vld [tilespmem:s15+$0xB0]  }
0x4c: {  	v46 =	vshll.u32 v46, v1;
	v50 =	vadd.s32 v4, v33;
	v33 =	vbroadcast v48, $0x0;
	v47 =	vld [tilespmem:s15+$0xFFFFFF30];
	[tilespmem:v54+s20+$0x0] =	vst.idx.msk $0xffff, v51;
	s15 =	sadd.s32 $0x200, s15  }
0x4d: {  	v40 =	vshll.u32 v40, v1;
	v48 =	vbroadcast v46, $0x0;
	v46 =	vld [tilespmem:s15+$0xC0];
	v51 =	vadd.s32 v29, v42;
	[tilespmem:v35+s20+$0x0] =	vst.idx.msk $0xffff, v56  }
0x4e: {  	v54 =	vbroadcast v40, $0x0;
	v53 =	vadd.s32 v0, v33;
	v35 =	vshll.u32 v41, v1;
	v52 =	vld [tilespmem:s15+$0xFFFFFF00];
	[tilespmem:v34+s20+$0x0] =	vst.idx.msk $0xffff, v49  }
0x4f: {  	v41 =	vadd.s32 v5, v48;
	v35 =	vbroadcast v35, $0x0;
	v34 =	vshll.u32 v44, v1;
	v40 =	vld [tilespmem:s15+$0xFFFFFF40];
	[tilespmem:v37+s20+$0x0] =	vst.idx.msk $0xffff, v43  }
0x50: {  	v44 =	vadd.s32 v9, v54;
	v34 =	vbroadcast v34, $0x0;
	v37 =	vshrl.u32 v38, $0x3;
	v43 =	vld [tilespmem:s15+$0xFFFFFF80];
	[tilespmem:v36+s20+$0x0] =	vst.idx.msk $0xffff, v45  }
0x51: {  	v39 =	vshrl.u32 v39, $0x3;
	v45 =	vadd.s32 v13, v35;
	v36 =	vshll.u32 v37, v1;
	v38 =	vld [tilespmem:s15+$0xFFFFFFC0];
	[tilespmem:v50+s20+$0x0] =	vst.idx.msk $0xffff, v47  }
0x52: {  	v49 =	vadd.s32 v17, v34;
	v37 =	vbroadcast v36, $0x0;
	v36 =	vshll.u32 v39, v1;
	v47 =	vld [tilespmem:s15+$0x0];
	[tilespmem:v51+s20+$0x0] =	vst.idx.msk $0xffff, v46  }
0x53: {  	v36 =	vbroadcast v36, $0x0;
	v46 =	vadd.s32 v30, v42;
	[tilespmem:v53+s20+$0x0] =	vst.idx.msk $0xffff, v52;
	v39 =	vld [tilespmem:s15+$0xD0]  }
0x54: {  	[tilespmem:v41+s20+$0x0] =	vst.idx.msk $0xffff, v40;
	v40 =	vld [tilespmem:s15+$0x40];
	v41 =	vadd.s32 v21, v37  }
0x55: {  	[tilespmem:v44+s20+$0x0] =	vst.idx.msk $0xffff, v43;
	v43 =	vld [tilespmem:s15+$0x80];
	v44 =	vadd.s32 v25, v36  }
0x56: {  	v51 =	vadd.s32 v6, v48;
	v50 =	vld [tilespmem:s15+$0xFFFFFF50];
	[tilespmem:v45+s20+$0x0] =	vst.idx.msk $0xffff, v38  }
0x57: {  	v45 =	vadd.s32 v10, v54;
	v38 =	vld [tilespmem:s15+$0xFFFFFF90];
	[tilespmem:v49+s20+$0x0] =	vst.idx.msk $0xffff, v47  }
0x58: {  	v49 =	vadd.s32 v14, v35;
	v47 =	vld [tilespmem:s15+$0xFFFFFFD0];
	[tilespmem:v46+s20+$0x0] =	vst.idx.msk $0xffff, v39  }
0x59: {  	[tilespmem:v41+s20+$0x0] =	vst.idx.msk $0xffff, v40;
	v39 =	vld [tilespmem:s15+$0xE0];
	v40 =	vadd.s32 v31, v42  }
0x5a: {  	v46 =	vadd.s32 v18, v34;
	v41 =	vld [tilespmem:s15+$0x10];
	[tilespmem:v44+s20+$0x0] =	vst.idx.msk $0xffff, v43  }
0x5b: {  	v44 =	vadd.s32 v22, v37;
	[tilespmem:v51+s20+$0x0] =	vst.idx.msk $0xffff, v50;
	v43 =	vld [tilespmem:s15+$0x50]  }
0x5c: {  	[tilespmem:v45+s20+$0x0] =	vst.idx.msk $0xffff, v38;
	v38 =	vld [tilespmem:s15+$0x90];
	v45 =	vadd.s32 v26, v36  }
0x5d: {  	v51 =	vadd.s32 v2, v33;
	v50 =	vld [tilespmem:s15+$0xFFFFFF10];
	[tilespmem:v49+s20+$0x0] =	vst.idx.msk $0xffff, v47  }
0x5e: {  	v49 =	vadd.s32 v7, v48;
	v47 =	vld [tilespmem:s15+$0xFFFFFF60];
	[tilespmem:v40+s20+$0x0] =	vst.idx.msk $0xffff, v39  }
0x5f: {  	v52 =	vadd.s32 v32, v42;
	[tilespmem:v46+s20+$0x0] =	vst.idx.msk $0xffff, v41;
	v39 =	vld [tilespmem:s15+$0xF0]  }
0x60: {  	v55 =	vadd.s32 v11, v54;
	v53 =	vld [tilespmem:s15+$0xFFFFFFA0];
	[tilespmem:v44+s20+$0x0] =	vst.idx.msk $0xffff, v43  }
0x61: {  	v57 =	vadd.s32 v15, v35;
	v56 =	vld [tilespmem:s15+$0xFFFFFFE0];
	[tilespmem:v45+s20+$0x0] =	vst.idx.msk $0xffff, v38  }
0x62: {  	v59 =	vadd.s32 v19, v34;
	[tilespmem:v51+s20+$0x0] =	vst.idx.msk $0xffff, v50;
	v58 =	vld [tilespmem:s15+$0x20]  }
.Ltmp2:
0x63: {  	s21 =	sadd.s32 $0x1, s18;
	v42 =	vadd.s32 v23, v37;
	v38 =	vmov s18;
	[tilespmem:v49+s20+$0x0] =	vst.idx.msk $0xffff, v47;
	v40 =	vld [tilespmem:s15+$0x60];
	(pc) =	sbr.rel @p1 .LBB2_3-.Ltmp2, $4  }
0x64: {  	s22 =	sadd.s32 $0x3, s18;
	v46 =	vmov s21;
	s21 =	sadd.s32 $0x2, s18;
	v45 =	vadd.s32 v27, v36;
	v51 =	vshrl.u32 v38, $0x3;
	v41 =	vld [tilespmem:s15+$0xA0];
	[tilespmem:v52+s20+$0x0] =	vst.idx.msk $0xffff, v39  }
0x65: {  	v43 =	vmov s22;
	s22 =	sadd.s32 $0x5, s18;
	v49 =	vmov s21;
	s21 =	sadd.s32 $0x4, s18;
	v52 =	vadd.s32 v3, v33;
	v47 =	vld [tilespmem:s15+$0xFFFFFF20];
	[tilespmem:v55+s20+$0x0] =	vst.idx.msk $0xffff, v53  }
0x66: {  	v38 =	vmov s22;
	v44 =	vmov s21;
	s21 =	sadd.s32 $0x6, s18;
	v53 =	vadd.s32 v8, v48;
	v50 =	vld [tilespmem:s15+$0xFFFFFF70];
	[tilespmem:v57+s20+$0x0] =	vst.idx.msk $0xffff, v56  }
0x67: {  	v54 =	vadd.s32 v12, v54;
	v48 =	vshll.u32 v51, v1;
	v39 =	vmov s21;
	s21 =	sadd.s32 $0x7, s18;
	s18 =	sadd.s32 $0x8, s18;
	v51 =	vld [tilespmem:s15+$0xFFFFFFB0];
	[tilespmem:v59+s20+$0x0] =	vst.idx.msk $0xffff, v58  }
0x68: {  	_ =	sdelay $0x2  }
0x69: {  	v46 =	vshrl.u32 v46, $0x3  }
0x6a: {  	v55 =	vmov s21;
	v56 =	vld [tilespmem:s15+$0xFFFFFFF0];
	v35 =	vadd.s32 v16, v35;
	[tilespmem:v42+s20+$0x0] =	vst.idx.msk $0xffff, v40;
	v61 =	vshrl.u32 v49, $0x3  }
0x6b: {  	v49 =	vld [tilespmem:s15+$0x30];
	v34 =	vadd.s32 v20, v34;
	v63 =	vshrl.u32 v43, $0x3;
	v37 =	vadd.s32 v24, v37;
	[tilespmem:v45+s20+$0x0] =	vst.idx.msk $0xffff, v41  }
0x6c: {  	v44 =	vshrl.u32 v44, $0x3;
	v36 =	vadd.s32 v28, v36;
	v62 =	vshrl.u32 v55, $0x3;
	v57 =	vld [tilespmem:s15+$0x70];
	[tilespmem:v52+s20+$0x0] =	vst.idx.msk $0xffff, v47  }
0x6d: {  	v33 =	vadd.s32 v4, v33;
	v42 =	vshll.u32 v62, v1;
	v45 =	vld [tilespmem:s15+$0xB0];
	v47 =	vbroadcast v48, $0x0;
	[tilespmem:v53+s20+$0x0] =	vst.idx.msk $0xffff, v50  }
0x6e: {  	s21 =	sadd.s32 $0x200, s15;
	v38 =	vshrl.u32 v38, $0x3;
	v46 =	vshll.u32 v46, v1;
	v42 =	vbroadcast v42, $0x0;
	v58 =	vld [tilespmem:s15+$0xFFFFFF30];
	[tilespmem:v54+s20+$0x0] =	vst.idx.msk $0xffff, v51  }
0x6f: {  	v40 =	vshll.u32 v61, v1;
	v61 =	vld [tilespmem:s21+$0xFFFFFF00];
	v46 =	vbroadcast v46, $0x0;
	v62 =	vadd.s32 v0, v47;
	[tilespmem:v35+s20+$0x0] =	vst.idx.msk $0xffff, v56  }
0x70: {  	v59 =	vld [tilespmem:s21+$0xC0];
	v41 =	vshll.u32 v63, v1;
	v40 =	vbroadcast v40, $0x0;
	v60 =	vadd.s32 v29, v42;
	[tilespmem:v34+s20+$0x0] =	vst.idx.msk $0xffff, v49  }
0x71: {  	v63 =	vld [tilespmem:s21+$0xFFFFFF40];
	v44 =	vshll.u32 v44, v1;
	v41 =	vbroadcast v41, $0x0;
	v53 =	vadd.s32 v5, v46;
	[tilespmem:v37+s20+$0x0] =	vst.idx.msk $0xffff, v57  }
0x72: {  	v38 =	vshll.u32 v38, v1;
	v44 =	vbroadcast v44, $0x0;
	v54 =	vld [tilespmem:s21+$0xFFFFFF80];
	v55 =	vadd.s32 v9, v40;
	[tilespmem:v36+s20+$0x0] =	vst.idx.msk $0xffff, v45  }
0x73: {  	v39 =	vshrl.u32 v39, $0x3;
	v38 =	vbroadcast v38, $0x0;
	v36 =	vld [tilespmem:s21+$0xFFFFFFC0];
	v45 =	vadd.s32 v13, v41;
	[tilespmem:v33+s20+$0x0] =	vst.idx.msk $0xffff, v58  }
0x74: {  	v39 =	vshll.u32 v39, v1;
	v56 =	vadd.s32 v17, v44;
	v33 =	vld [tilespmem:s21+$0x0];
	[tilespmem:v62+s20+$0x0] =	vst.idx.msk $0xffff, v61  }
0x75: {  	v35 =	vbroadcast v39, $0x0;
	v58 =	vld [tilespmem:s21+$0x40];
	[tilespmem:v60+s20+$0x0] =	vst.idx.msk $0xffff, v59;
	v59 =	vadd.s32 v21, v38  }
0x76: {  	v57 =	vadd.s32 v30, v42;
	[tilespmem:v53+s20+$0x0] =	vst.idx.msk $0xffff, v63;
	v39 =	vld [tilespmem:s21+$0xD0]  }
0x77: {  	[tilespmem:v55+s20+$0x0] =	vst.idx.msk $0xffff, v54;
	v61 =	vadd.s32 v25, v35;
	v60 =	vld [tilespmem:s21+$0x80]  }
0x78: {  	v63 =	vadd.s32 v6, v46;
	v62 =	vld [tilespmem:s21+$0xFFFFFF50];
	[tilespmem:v45+s20+$0x0] =	vst.idx.msk $0xffff, v36  }
0x79: {  	v55 =	vadd.s32 v10, v40;
	v54 =	vld [tilespmem:s21+$0xFFFFFF90];
	[tilespmem:v56+s20+$0x0] =	vst.idx.msk $0xffff, v33  }
0x7a: {  	v33 =	vld [tilespmem:s21+$0xFFFFFFD0];
	v56 =	vadd.s32 v14, v41;
	[tilespmem:v59+s20+$0x0] =	vst.idx.msk $0xffff, v58  }
0x7b: {  	v58 =	vadd.s32 v18, v44;
	[tilespmem:v57+s20+$0x0] =	vst.idx.msk $0xffff, v39;
	v57 =	vld [tilespmem:s21+$0x10]  }
0x7c: {  	[tilespmem:v61+s20+$0x0] =	vst.idx.msk $0xffff, v60;
	v59 =	vadd.s32 v22, v38;
	v37 =	vld [tilespmem:s21+$0x50]  }
0x7d: {  	[tilespmem:v63+s20+$0x0] =	vst.idx.msk $0xffff, v62;
	v39 =	vadd.s32 v31, v42;
	v34 =	vld [tilespmem:s21+$0xE0]  }
0x7e: {  	[tilespmem:v55+s20+$0x0] =	vst.idx.msk $0xffff, v54;
	v62 =	vld [tilespmem:s21+$0xFFFFFF10];
	v63 =	vadd.s32 v2, v47  }
0x7f: {  	v61 =	vadd.s32 v26, v35;
	v60 =	vld [tilespmem:s21+$0x90];
	[tilespmem:v56+s20+$0x0] =	vst.idx.msk $0xffff, v33  }
0x80: {  	v55 =	vld [tilespmem:s21+$0xFFFFFF60];
	v56 =	vadd.s32 v7, v46;
	[tilespmem:v58+s20+$0x0] =	vst.idx.msk $0xffff, v57  }
0x81: {  	v57 =	vadd.s32 v32, v42;
	v42 =	vld [tilespmem:s21+$0xFFFFFFA0];
	v58 =	vadd.s32 v11, v40;
	[tilespmem:v59+s20+$0x0] =	vst.idx.msk $0xffff, v37  }
0x82: {  	v37 =	vld [tilespmem:s21+$0xFFFFFFE0];
	v59 =	vadd.s32 v15, v41;
	[tilespmem:v39+s20+$0x0] =	vst.idx.msk $0xffff, v34  }
0x83: {  	[tilespmem:v63+s20+$0x0] =	vst.idx.msk $0xffff, v62;
	v34 =	vld [tilespmem:s21+$0xF0]  }
0x84: {  	[tilespmem:v61+s20+$0x0] =	vst.idx.msk $0xffff, v60;
	v61 =	vadd.s32 v19, v44;
	v60 =	vld [tilespmem:s21+$0x20]  }
0x85: {  	v63 =	vadd.s32 v23, v38;
	v62 =	vld [tilespmem:s21+$0x60];
	[tilespmem:v56+s20+$0x0] =	vst.idx.msk $0xffff, v55  }
0x86: {  	v54 =	vld [tilespmem:s21+$0xA0];
	v55 =	vadd.s32 v27, v35;
	[tilespmem:v58+s20+$0x0] =	vst.idx.msk $0xffff, v42  }
0x87: {  	v46 =	vadd.s32 v8, v46;
	v58 =	vld [tilespmem:s21+$0xFFFFFF70];
	[tilespmem:v59+s20+$0x0] =	vst.idx.msk $0xffff, v37  }
0x88: {  	v56 =	vld [tilespmem:s21+$0xFFFFFF20];
	[tilespmem:v57+s20+$0x0] =	vst.idx.msk $0xffff, v34;
	v57 =	vadd.s32 v3, v47  }
0x89: {  	v40 =	vadd.s32 v12, v40;
	v59 =	vld [tilespmem:s21+$0xFFFFFFB0];
	[tilespmem:v61+s20+$0x0] =	vst.idx.msk $0xffff, v60  }
0x8a: {  	v41 =	vadd.s32 v16, v41;
	v60 =	vld [tilespmem:s21+$0xFFFFFFF0];
	[tilespmem:v63+s20+$0x0] =	vst.idx.msk $0xffff, v62  }
0x8b: {  	v62 =	vadd.s32 v20, v44;
	v61 =	vld [tilespmem:s21+$0x30];
	[tilespmem:v55+s20+$0x0] =	vst.idx.msk $0xffff, v54  }
0x8c: {  	v38 =	vadd.s32 v24, v38;
	v63 =	vld [tilespmem:s21+$0x70];
	[tilespmem:v46+s20+$0x0] =	vst.idx.msk $0xffff, v58  }
0x8d: {  	v35 =	vadd.s32 v28, v35;
	v48 =	vld [tilespmem:s21+$0xB0];
	[tilespmem:v57+s20+$0x0] =	vst.idx.msk $0xffff, v56  }
0x8e: {  	v50 =	vadd.s32 v4, v47;
	[tilespmem:v40+s20+$0x0] =	vst.idx.msk $0xffff, v59;
	v49 =	vld [tilespmem:s21+$0xFFFFFF30]  }
0x8f: {  	[tilespmem:v41+s20+$0x0] =	vst.idx.msk $0xffff, v60  }
0x90: {  	[tilespmem:v62+s20+$0x0] =	vst.idx.msk $0xffff, v61  }
0x91: {  	[tilespmem:v38+s20+$0x0] =	vst.idx.msk $0xffff, v63  }
0x92: {  	s14 =	sshll.u32 s14, $0x7;
	[tilespmem:v35+s20+$0x0] =	vst.idx.msk $0xffff, v48  }
0x93: {  	s15 =	sadd.s32 s2, s14;
	[tilespmem:v50+s20+$0x0] =	vst.idx.msk $0xffff, v49  }
0x94: {  	[hbm4b:s15+s3] =	stream.linear.scatter [tilespmem:s20], [sflag:$0x3], $0x80, $0x38;
	[tilespmem:$0xE800] =	vst v63  }
0x95: {  	s22 =	simm.s32 $0xA488;
	s18 =	sadd.s32 $0x10, s15  }
0x96: {  	[hbm4b:s18+s3] =	stream.linear.scatter [tilespmem:s22], [sflag:$0x3], $0x80, $0x38;
	[tilespmem:$0xE800] =	vst v63  }
0x97: {  	s21 =	sadd.s32 $0x20, s15;
	s22 =	simm.s32 $0xA510  }
0x98: {  	[hbm4b:s21+s3] =	stream.linear.scatter [tilespmem:s22], [sflag:$0x3], $0x80, $0x38;
	[tilespmem:$0xE800] =	vst v63  }
0x99: {  	s21 =	sadd.s32 $0x30, s15;
	s22 =	simm.s32 $0xA598  }
0x9a: {  	[hbm4b:s21+s3] =	stream.linear.scatter [tilespmem:s22], [sflag:$0x3], $0x80, $0x38;
	[tilespmem:$0xE800] =	vst v63  }
0x9b: {  	s21 =	sadd.s32 $0x40, s15;
	s22 =	simm.s32 $0xA620  }
0x9c: {  	[hbm4b:s21+s3] =	stream.linear.scatter [tilespmem:s22], [sflag:$0x3], $0x80, $0x38;
	[tilespmem:$0xE800] =	vst v63  }
0x9d: {  	s21 =	sadd.s32 $0x50, s15;
	s22 =	simm.s32 $0xA6A8  }
0x9e: {  	[hbm4b:s21+s3] =	stream.linear.scatter [tilespmem:s22], [sflag:$0x3], $0x80, $0x38;
	[tilespmem:$0xE800] =	vst v63  }
0x9f: {  	s21 =	sadd.s32 $0x60, s15;
	s22 =	simm.s32 $0xA730  }
0xa0: {  	[hbm4b:s21+s3] =	stream.linear.scatter [tilespmem:s22], [sflag:$0x3], $0x80, $0x38;
	[tilespmem:$0xE800] =	vst v63  }
0xa1: {  	s15 =	sadd.s32 $0x70, s15;
	s21 =	simm.s32 $0xA7B8  }
0xa2: {  	[hbm4b:s15+s3] =	stream.linear.scatter [tilespmem:s21], [sflag:$0x3], $0x80, $0x38;
	[tilespmem:$0xE800] =	vst v63  }
0xa3: {  	s22 =	simm.s32 $0xA840;
	s15 =	sadd.s32 s14, s7  }
0xa4: {  	[hbm4b:s15+s3] =	stream.linear.scatter [tilespmem:s22], [sflag:$0x3], $0x80, $0x38;
	[tilespmem:$0xE800] =	vst v63  }
0xa5: {  	s21 =	sadd.s32 $0x10, s15;
	s22 =	simm.s32 $0xA8C8  }
0xa6: {  	[hbm4b:s21+s3] =	stream.linear.scatter [tilespmem:s22], [sflag:$0x3], $0x80, $0x38;
	[tilespmem:$0xE800] =	vst v63  }
0xa7: {  	s21 =	sadd.s32 $0x20, s15;
	s22 =	simm.s32 $0xA950  }
0xa8: {  	[hbm4b:s21+s3] =	stream.linear.scatter [tilespmem:s22], [sflag:$0x3], $0x80, $0x38;
	[tilespmem:$0xE800] =	vst v63  }
0xa9: {  	s21 =	sadd.s32 $0x30, s15;
	s22 =	simm.s32 $0xA9D8  }
0xaa: {  	[hbm4b:s21+s3] =	stream.linear.scatter [tilespmem:s22], [sflag:$0x3], $0x80, $0x38;
	[tilespmem:$0xE800] =	vst v63  }
0xab: {  	s21 =	sadd.s32 $0x40, s15;
	s22 =	simm.s32 $0xAA60  }
0xac: {  	[hbm4b:s21+s3] =	stream.linear.scatter [tilespmem:s22], [sflag:$0x3], $0x80, $0x38;
	[tilespmem:$0xE800] =	vst v63  }
0xad: {  	s21 =	sadd.s32 $0x50, s15;
	s22 =	simm.s32 $0xAAE8  }
0xae: {  	[hbm4b:s21+s3] =	stream.linear.scatter [tilespmem:s22], [sflag:$0x3], $0x80, $0x38;
	[tilespmem:$0xE800] =	vst v63  }
0xaf: {  	s21 =	sadd.s32 $0x60, s15;
	s22 =	simm.s32 $0xAB70  }
0xb0: {  	[hbm4b:s21+s3] =	stream.linear.scatter [tilespmem:s22], [sflag:$0x3], $0x80, $0x38;
	[tilespmem:$0xE800] =	vst v63  }
0xb1: {  	s15 =	sadd.s32 $0x70, s15;
	s21 =	simm.s32 $0xABF8  }
0xb2: {  	[hbm4b:s15+s3] =	stream.linear.scatter [tilespmem:s21], [sflag:$0x3], $0x80, $0x38;
	[tilespmem:$0xE800] =	vst v63  }
0xb3: {  	s22 =	simm.s32 $0xAC80;
	s15 =	sadd.s32 s14, s8  }
0xb4: {  	[hbm4b:s15+s3] =	stream.linear.scatter [tilespmem:s22], [sflag:$0x3], $0x80, $0x38;
	[tilespmem:$0xE800] =	vst v63  }
0xb5: {  	s21 =	sadd.s32 $0x10, s15;
	s22 =	simm.s32 $0xAD08  }
0xb6: {  	[hbm4b:s21+s3] =	stream.linear.scatter [tilespmem:s22], [sflag:$0x3], $0x80, $0x38;
	[tilespmem:$0xE800] =	vst v63  }
0xb7: {  	s21 =	sadd.s32 $0x20, s15;
	s22 =	simm.s32 $0xAD90  }
0xb8: {  	[hbm4b:s21+s3] =	stream.linear.scatter [tilespmem:s22], [sflag:$0x3], $0x80, $0x38;
	[tilespmem:$0xE800] =	vst v63  }
0xb9: {  	s21 =	sadd.s32 $0x30, s15;
	s22 =	simm.s32 $0xAE18  }
0xba: {  	[hbm4b:s21+s3] =	stream.linear.scatter [tilespmem:s22], [sflag:$0x3], $0x80, $0x38;
	[tilespmem:$0xE800] =	vst v63  }
0xbb: {  	s21 =	sadd.s32 $0x40, s15;
	s22 =	simm.s32 $0xAEA0  }
0xbc: {  	[hbm4b:s21+s3] =	stream.linear.scatter [tilespmem:s22], [sflag:$0x3], $0x80, $0x38;
	[tilespmem:$0xE800] =	vst v63  }
0xbd: {  	s21 =	sadd.s32 $0x50, s15;
	s22 =	simm.s32 $0xAF28  }
0xbe: {  	[hbm4b:s21+s3] =	stream.linear.scatter [tilespmem:s22], [sflag:$0x3], $0x80, $0x38;
	[tilespmem:$0xE800] =	vst v63  }
0xbf: {  	s21 =	sadd.s32 $0x60, s15;
	s22 =	simm.s32 $0xAFB0  }
0xc0: {  	[hbm4b:s21+s3] =	stream.linear.scatter [tilespmem:s22], [sflag:$0x3], $0x80, $0x38;
	[tilespmem:$0xE800] =	vst v63  }
0xc1: {  	s15 =	sadd.s32 $0x70, s15;
	s21 =	simm.s32 $0xB038  }
0xc2: {  	[hbm4b:s15+s3] =	stream.linear.scatter [tilespmem:s21], [sflag:$0x3], $0x80, $0x38;
	[tilespmem:$0xE800] =	vst v63  }
0xc3: {  	s22 =	simm.s32 $0xB0C0;
	s15 =	sadd.s32 s14, s9  }
0xc4: {  	[hbm4b:s15+s3] =	stream.linear.scatter [tilespmem:s22], [sflag:$0x3], $0x80, $0x38;
	[tilespmem:$0xE800] =	vst v63  }
0xc5: {  	s21 =	sadd.s32 $0x10, s15;
	s22 =	simm.s32 $0xB148  }
0xc6: {  	[hbm4b:s21+s3] =	stream.linear.scatter [tilespmem:s22], [sflag:$0x3], $0x80, $0x38;
	[tilespmem:$0xE800] =	vst v63  }
0xc7: {  	s21 =	sadd.s32 $0x20, s15;
	s22 =	simm.s32 $0xB1D0  }
0xc8: {  	[hbm4b:s21+s3] =	stream.linear.scatter [tilespmem:s22], [sflag:$0x3], $0x80, $0x38;
	[tilespmem:$0xE800] =	vst v63  }
0xc9: {  	s21 =	sadd.s32 $0x30, s15;
	s22 =	simm.s32 $0xB258  }
0xca: {  	[hbm4b:s21+s3] =	stream.linear.scatter [tilespmem:s22], [sflag:$0x3], $0x80, $0x38;
	[tilespmem:$0xE800] =	vst v63  }
0xcb: {  	s21 =	sadd.s32 $0x40, s15;
	s22 =	simm.s32 $0xB2E0  }
0xcc: {  	[hbm4b:s21+s3] =	stream.linear.scatter [tilespmem:s22], [sflag:$0x3], $0x80, $0x38;
	[tilespmem:$0xE800] =	vst v63  }
0xcd: {  	s21 =	sadd.s32 $0x50, s15;
	s22 =	simm.s32 $0xB368  }
0xce: {  	[hbm4b:s21+s3] =	stream.linear.scatter [tilespmem:s22], [sflag:$0x3], $0x80, $0x38;
	[tilespmem:$0xE800] =	vst v63  }
0xcf: {  	s21 =	sadd.s32 $0x60, s15;
	s22 =	simm.s32 $0xB3F0  }
0xd0: {  	[hbm4b:s21+s3] =	stream.linear.scatter [tilespmem:s22], [sflag:$0x3], $0x80, $0x38;
	[tilespmem:$0xE800] =	vst v63  }
0xd1: {  	s15 =	sadd.s32 $0x70, s15;
	s21 =	simm.s32 $0xB478  }
0xd2: {  	[hbm4b:s15+s3] =	stream.linear.scatter [tilespmem:s21], [sflag:$0x3], $0x80, $0x38;
	[tilespmem:$0xE800] =	vst v63  }
0xd3: {  	s22 =	simm.s32 $0xB500;
	s15 =	sadd.s32 s14, s10  }
0xd4: {  	[hbm4b:s15+s3] =	stream.linear.scatter [tilespmem:s22], [sflag:$0x3], $0x80, $0x38;
	[tilespmem:$0xE800] =	vst v63  }
0xd5: {  	s21 =	sadd.s32 $0x10, s15;
	s22 =	simm.s32 $0xB588  }
0xd6: {  	[hbm4b:s21+s3] =	stream.linear.scatter [tilespmem:s22], [sflag:$0x3], $0x80, $0x38;
	[tilespmem:$0xE800] =	vst v63  }
0xd7: {  	s21 =	sadd.s32 $0x20, s15;
	s22 =	simm.s32 $0xB610  }
0xd8: {  	[hbm4b:s21+s3] =	stream.linear.scatter [tilespmem:s22], [sflag:$0x3], $0x80, $0x38;
	[tilespmem:$0xE800] =	vst v63  }
0xd9: {  	s21 =	sadd.s32 $0x30, s15;
	s22 =	simm.s32 $0xB698  }
0xda: {  	[hbm4b:s21+s3] =	stream.linear.scatter [tilespmem:s22], [sflag:$0x3], $0x80, $0x38;
	[tilespmem:$0xE800] =	vst v63  }
0xdb: {  	s21 =	sadd.s32 $0x40, s15;
	s22 =	simm.s32 $0xB720  }
0xdc: {  	[hbm4b:s21+s3] =	stream.linear.scatter [tilespmem:s22], [sflag:$0x3], $0x80, $0x38;
	[tilespmem:$0xE800] =	vst v63  }
0xdd: {  	s21 =	sadd.s32 $0x50, s15;
	s22 =	simm.s32 $0xB7A8  }
0xde: {  	[hbm4b:s21+s3] =	stream.linear.scatter [tilespmem:s22], [sflag:$0x3], $0x80, $0x38;
	[tilespmem:$0xE800] =	vst v63  }
0xdf: {  	s21 =	sadd.s32 $0x60, s15;
	s22 =	simm.s32 $0xB830  }
0xe0: {  	[hbm4b:s21+s3] =	stream.linear.scatter [tilespmem:s22], [sflag:$0x3], $0x80, $0x38;
	[tilespmem:$0xE800] =	vst v63  }
0xe1: {  	s15 =	sadd.s32 $0x70, s15;
	s21 =	simm.s32 $0xB8B8  }
0xe2: {  	[hbm4b:s15+s3] =	stream.linear.scatter [tilespmem:s21], [sflag:$0x3], $0x80, $0x38;
	[tilespmem:$0xE800] =	vst v63  }
0xe3: {  	s22 =	simm.s32 $0xB940;
	s15 =	sadd.s32 s14, s11  }
0xe4: {  	[hbm4b:s15+s3] =	stream.linear.scatter [tilespmem:s22], [sflag:$0x3], $0x80, $0x38;
	[tilespmem:$0xE800] =	vst v63  }
0xe5: {  	s21 =	sadd.s32 $0x10, s15;
	s22 =	simm.s32 $0xB9C8  }
0xe6: {  	[hbm4b:s21+s3] =	stream.linear.scatter [tilespmem:s22], [sflag:$0x3], $0x80, $0x38;
	[tilespmem:$0xE800] =	vst v63  }
0xe7: {  	s21 =	sadd.s32 $0x20, s15;
	s22 =	simm.s32 $0xBA50  }
0xe8: {  	[hbm4b:s21+s3] =	stream.linear.scatter [tilespmem:s22], [sflag:$0x3], $0x80, $0x38;
	[tilespmem:$0xE800] =	vst v63  }
0xe9: {  	s21 =	sadd.s32 $0x30, s15;
	s22 =	simm.s32 $0xBAD8  }
0xea: {  	[hbm4b:s21+s3] =	stream.linear.scatter [tilespmem:s22], [sflag:$0x3], $0x80, $0x38;
	[tilespmem:$0xE800] =	vst v63  }
0xeb: {  	s21 =	sadd.s32 $0x40, s15;
	s22 =	simm.s32 $0xBB60  }
0xec: {  	[hbm4b:s21+s3] =	stream.linear.scatter [tilespmem:s22], [sflag:$0x3], $0x80, $0x38;
	[tilespmem:$0xE800] =	vst v63  }
0xed: {  	s21 =	sadd.s32 $0x50, s15;
	s22 =	simm.s32 $0xBBE8  }
0xee: {  	[hbm4b:s21+s3] =	stream.linear.scatter [tilespmem:s22], [sflag:$0x3], $0x80, $0x38;
	[tilespmem:$0xE800] =	vst v63  }
0xef: {  	s21 =	sadd.s32 $0x60, s15;
	s22 =	simm.s32 $0xBC70  }
0xf0: {  	[hbm4b:s21+s3] =	stream.linear.scatter [tilespmem:s22], [sflag:$0x3], $0x80, $0x38;
	[tilespmem:$0xE800] =	vst v63  }
0xf1: {  	s15 =	sadd.s32 $0x70, s15;
	s21 =	simm.s32 $0xBCF8  }
0xf2: {  	[hbm4b:s15+s3] =	stream.linear.scatter [tilespmem:s21], [sflag:$0x3], $0x80, $0x38;
	[tilespmem:$0xE800] =	vst v63  }
0xf3: {  	s22 =	simm.s32 $0xBD80;
	s15 =	sadd.s32 s14, s12  }
0xf4: {  	[hbm4b:s15+s3] =	stream.linear.scatter [tilespmem:s22], [sflag:$0x3], $0x80, $0x38;
	[tilespmem:$0xE800] =	vst v63  }
0xf5: {  	s21 =	sadd.s32 $0x10, s15;
	s22 =	simm.s32 $0xBE08  }
0xf6: {  	[hbm4b:s21+s3] =	stream.linear.scatter [tilespmem:s22], [sflag:$0x3], $0x80, $0x38;
	[tilespmem:$0xE800] =	vst v63  }
0xf7: {  	s21 =	sadd.s32 $0x20, s15;
	s22 =	simm.s32 $0xBE90  }
0xf8: {  	[hbm4b:s21+s3] =	stream.linear.scatter [tilespmem:s22], [sflag:$0x3], $0x80, $0x38;
	[tilespmem:$0xE800] =	vst v63  }
0xf9: {  	s21 =	sadd.s32 $0x30, s15;
	s22 =	simm.s32 $0xBF18  }
0xfa: {  	[hbm4b:s21+s3] =	stream.linear.scatter [tilespmem:s22], [sflag:$0x3], $0x80, $0x38;
	[tilespmem:$0xE800] =	vst v63  }
0xfb: {  	s21 =	sadd.s32 $0x40, s15;
	s22 =	simm.s32 $0xBFA0  }
0xfc: {  	[hbm4b:s21+s3] =	stream.linear.scatter [tilespmem:s22], [sflag:$0x3], $0x80, $0x38;
	[tilespmem:$0xE800] =	vst v63  }
0xfd: {  	s21 =	sadd.s32 $0x50, s15;
	s22 =	simm.s32 $0xC028  }
0xfe: {  	[hbm4b:s21+s3] =	stream.linear.scatter [tilespmem:s22], [sflag:$0x3], $0x80, $0x38;
	[tilespmem:$0xE800] =	vst v63  }
0xff: {  	s21 =	sadd.s32 $0x60, s15;
	s22 =	simm.s32 $0xC0B0  }
0x100: {  	[hbm4b:s21+s3] =	stream.linear.scatter [tilespmem:s22], [sflag:$0x3], $0x80, $0x38;
	[tilespmem:$0xE800] =	vst v63  }
0x101: {  	s15 =	sadd.s32 $0x70, s15;
	s22 =	simm.s32 $0xC138  }
0x102: {  	[hbm4b:s15+s3] =	stream.linear.scatter [tilespmem:s22], [sflag:$0x3], $0x80, $0x38;
	[tilespmem:$0xE800] =	vst v63  }
0x103: {  	s18 =	simm.s32 $0xC1C0;
	s14 =	sadd.s32 s14, s13  }
0x104: {  	[hbm4b:s14+s3] =	stream.linear.scatter [tilespmem:s18], [sflag:$0x3], $0x80, $0x38;
	[tilespmem:$0xE800] =	vst v63  }
0x105: {  	s21 =	sadd.s32 $0x10, s14;
	s22 =	simm.s32 $0xC248  }
0x106: {  	[hbm4b:s21+s3] =	stream.linear.scatter [tilespmem:s22], [sflag:$0x3], $0x80, $0x38;
	[tilespmem:$0xE800] =	vst v63  }
0x107: {  	s21 =	sadd.s32 $0x20, s14;
	s22 =	simm.s32 $0xC2D0  }
0x108: {  	[hbm4b:s21+s3] =	stream.linear.scatter [tilespmem:s22], [sflag:$0x3], $0x80, $0x38;
	[tilespmem:$0xE800] =	vst v63  }
0x109: {  	s21 =	sadd.s32 $0x30, s14;
	s22 =	simm.s32 $0xC358  }
0x10a: {  	[hbm4b:s21+s3] =	stream.linear.scatter [tilespmem:s22], [sflag:$0x3], $0x80, $0x38;
	[tilespmem:$0xE800] =	vst v63  }
0x10b: {  	s21 =	sadd.s32 $0x40, s14;
	s22 =	simm.s32 $0xC3E0  }
0x10c: {  	[hbm4b:s21+s3] =	stream.linear.scatter [tilespmem:s22], [sflag:$0x3], $0x80, $0x38;
	[tilespmem:$0xE800] =	vst v63  }
0x10d: {  	s21 =	sadd.s32 $0x50, s14;
	s22 =	simm.s32 $0xC468  }
0x10e: {  	[hbm4b:s21+s3] =	stream.linear.scatter [tilespmem:s22], [sflag:$0x3], $0x80, $0x38;
	[tilespmem:$0xE800] =	vst v63  }
0x10f: {  	s18 =	sadd.s32 $0x60, s14;
	s21 =	simm.s32 $0xC4F0  }
0x110: {  	[hbm4b:s18+s3] =	stream.linear.scatter [tilespmem:s21], [sflag:$0x3], $0x80, $0x38;
	[tilespmem:$0xE800] =	vst v63  }
0x111: {  	p1 =	seq.s32 s1, $0x63;
	s14 =	sadd.s32 $0x70, s14;
	s22 =	simm.s32 $0xC578  }
0x112: {  	[hbm4b:s14+s3] =	stream.linear.scatter [tilespmem:s22], [sflag:$0x3], $0x80, $0x38;
	[tilespmem:$0xE800] =	vst v63  }
0x113: {  	s15 =	simm.s32 @!p1 $0x80;
	s14 =	sshll.u32 @!p1 s1, $0x8  }
0x114: {  	s18 =	simm.s32 @!p1 $0x6400;
	s21 =	simm.s32 $0x2;
	s14 =	sand.u32 @!p1 $0x3FFFFF00, s14  }
0x115: {  	v53 =	vmov s21;
	s21 =	simm.s32 $0x7;
	s22 =	simm.s32 $0x3;
	s14 =	sadd.s32 @!p1 $0x100, s14  }
0x116: {  	v56 =	vmov s21;
	[tilespmem:s18], [sflag:$0x1] =	stream.indirect.gather @!p1 [hbm4b:s4+s15], $0x40, s14, s15, $0xb8;
	[tilespmem:$0xE800] =	vst v63  }
0x117: {  	v35 =	vshrl.u32 v53, $0x3;
	v54 =	vmov s22;
	s22 =	simm.s32 $0x5;
	v38 =	vshrl.u32 v56, $0x3;
	_ =	swait.ge [sflag:s0], $0x2000  }
0x118: {  	v57 =	vshll.u32 v35, v1;
	v39 =	vmov s22;
	v38 =	vshll.u32 v38, v1;
	s15 =	simm.s32 $0x0;
	s18 =	simm.s32 $0x1;
	[sflag:s0] =	ssyncset.done $0x0  }
0x119: {  	v36 =	vshrl.u32 v54, $0x3;
	v51 =	vmov s15;
	v52 =	vmov s18;
	s15 =	simm.s32 @!p0 $0x4;
	[sflag:s0] =	ssyncadd.s32 $0xFFFFE000  }
0x11a: {  	v54 =	vbroadcast v57, $0x0;
	v38 =	vbroadcast v38, $0x0;
	v34 =	vshrl.u32 v52, $0x3;
	_ =	swait.ge @!p0 [sflag:s15], $0x2000  }
0x11b: {  	v58 =	vshll.u32 v36, v1;
	v33 =	vshrl.u32 v51, $0x3;
	v34 =	vshll.u32 v34, v1;
	[sflag:s15] =	ssyncset.done @!p0 $0x0  }
0x11c: {  	s14 =	simm.s32 $0x85F0;
	s18 =	simm.s32 $0x4;
	v35 =	vbroadcast v58, $0x0;
	v33 =	vshll.u32 v33, v1;
	v48 =	vbroadcast v34, $0x0;
	[sflag:s15] =	ssyncadd.s32 @!p0 $0xFFFFE000  }
0x11d: {  	v55 =	vmov s18;
	v42 =	vadd.s32 v29, v38;
	v33 =	vbroadcast v33, $0x0;
	v41 =	vld [tilespmem:s14+$0xFFFFFFD0]  }
0x11e: {  	v63 =	vadd.s32 v9, v54;
	v37 =	vshrl.u32 v55, $0x3;
	v60 =	vadd.s32 v5, v48;
	v59 =	vld [tilespmem:s14+$0xFFFFFE50]  }
0x11f: {  	s18 =	simm.s32 $0x6;
	v55 =	vshrl.u32 v39, $0x3;
	v61 =	vshll.u32 v37, v1;
	v44 =	vadd.s32 v0, v33;
	v43 =	vld [tilespmem:s14+$0xFFFFFE10]  }
0x120: {  	v40 =	vmov s18;
	v36 =	vshll.u32 v55, v1;
	v34 =	vbroadcast v61, $0x0;
	v62 =	vld [tilespmem:s14+$0xFFFFFE90]  }
0x121: {  	v56 =	vadd.s32 v13, v35;
	v40 =	vshrl.u32 v40, $0x3;
	v37 =	vbroadcast v36, $0x0;
	v39 =	vld [tilespmem:s14+$0xFFFFFED0]  }
0x122: {  	v57 =	vshll.u32 v40, v1;
	v51 =	vld [tilespmem:s14+$0xFFFFFF10];
	v52 =	vadd.s32 v17, v34;
	[tilespmem:v42+s17+$0x0] =	vst.idx.msk $0xffff, v41  }
0x123: {  	v36 =	vbroadcast v57, $0x0;
	[tilespmem:v60+s17+$0x0] =	vst.idx.msk $0xffff, v59;
	v59 =	vld [tilespmem:s14+$0xFFFFFF50];
	v60 =	vadd.s32 v21, v37  }
0x124: {  	v58 =	vadd.s32 v30, v38;
	[tilespmem:v44+s17+$0x0] =	vst.idx.msk $0xffff, v43;
	v40 =	vld [tilespmem:s14+$0xFFFFFFE0]  }
0x125: {  	v61 =	vld [tilespmem:s14+$0xFFFFFF90];
	[tilespmem:v63+s17+$0x0] =	vst.idx.msk $0xffff, v62;
	v62 =	vadd.s32 v25, v36  }
0x126: {  	v63 =	vadd.s32 v6, v48;
	[tilespmem:v56+s17+$0x0] =	vst.idx.msk $0xffff, v39;
	v46 =	vld [tilespmem:s14+$0xFFFFFE60]  }
0x127: {  	v56 =	vadd.s32 v10, v54;
	[tilespmem:v52+s17+$0x0] =	vst.idx.msk $0xffff, v51;
	v55 =	vld [tilespmem:s14+$0xFFFFFEA0]  }
0x128: {  	v57 =	vadd.s32 v14, v35;
	v50 =	vld [tilespmem:s14+$0xFFFFFEE0];
	[tilespmem:v60+s17+$0x0] =	vst.idx.msk $0xffff, v59  }
0x129: {  	v59 =	vld [tilespmem:s14+$0xFFFFFF20];
	v60 =	vadd.s32 v18, v34;
	[tilespmem:v58+s17+$0x0] =	vst.idx.msk $0xffff, v40  }
0x12a: {  	[tilespmem:v62+s17+$0x0] =	vst.idx.msk $0xffff, v61;
	v58 =	vadd.s32 v31, v38;
	v40 =	vld [tilespmem:s14+$0xFFFFFFF0]  }
0x12b: {  	v62 =	vadd.s32 v22, v37;
	[tilespmem:v63+s17+$0x0] =	vst.idx.msk $0xffff, v46;
	v61 =	vld [tilespmem:s14+$0xFFFFFF60]  }
0x12c: {  	[tilespmem:v56+s17+$0x0] =	vst.idx.msk $0xffff, v55;
	v39 =	vld [tilespmem:s14+$0xFFFFFFA0];
	v46 =	vadd.s32 v26, v36  }
0x12d: {  	v47 =	vld [tilespmem:s14+$0xFFFFFE20];
	v63 =	vadd.s32 v2, v33;
	[tilespmem:v57+s17+$0x0] =	vst.idx.msk $0xffff, v50  }
0x12e: {  	v51 =	vadd.s32 v7, v48;
	v50 =	vld [tilespmem:s14+$0xFFFFFE70];
	[tilespmem:v60+s17+$0x0] =	vst.idx.msk $0xffff, v59  }
0x12f: {  	v52 =	vld [tilespmem:s14+$0xFFFFFEB0];
	v60 =	vadd.s32 v11, v54;
	[tilespmem:v58+s17+$0x0] =	vst.idx.msk $0xffff, v40  }
0x130: {  	v38 =	vadd.s32 v32, v38;
	[tilespmem:v62+s17+$0x0] =	vst.idx.msk $0xffff, v61;
	v43 =	vld [tilespmem:s14+$0x0]  }
0x131: {  	v61 =	vld [tilespmem:s14+$0xFFFFFEF0];
	v62 =	vadd.s32 v15, v35;
	[tilespmem:v46+s17+$0x0] =	vst.idx.msk $0xffff, v39  }
0x132: {  	s21 =	simm.s32 $0x8;
	[tilespmem:v63+s17+$0x0] =	vst.idx.msk $0xffff, v47;
	v57 =	vld [tilespmem:s14+$0xFFFFFF30];
	v58 =	vadd.s32 v19, v34  }
0x133: {  	s6 =	sadd.s32 s6, s5;
	s22 =	simm.s32 $0x9;
	v42 =	vadd.s32 v23, v37;
	v63 =	vmov s21;
	s21 =	simm.s32 $0xA;
	[tilespmem:v51+s17+$0x0] =	vst.idx.msk $0xffff, v50;
	v40 =	vld [tilespmem:s14+$0xFFFFFF70]  }
0x134: {  	s6 =	sadd.s32 $0x1, s6;
	v45 =	vadd.s32 v27, v36;
	v46 =	vmov s22;
	s22 =	simm.s32 $0xB;
	v41 =	vld [tilespmem:s14+$0xFFFFFFB0];
	v49 =	vmov s21;
	s21 =	simm.s32 $0xC;
	[tilespmem:v60+s17+$0x0] =	vst.idx.msk $0xffff, v52  }
0x135: {  	v47 =	vld [tilespmem:s14+$0xFFFFFE30];
	v44 =	vmov s21;
	s21 =	simm.s32 $0xD;
	v52 =	vadd.s32 v3, v33;
	[tilespmem:v38+s17+$0x0] =	vst.idx.msk $0xffff, v43;
	v43 =	vmov s22;
	s22 =	sshll.u32 s6, $0x3  }
0x136: {  	v53 =	vadd.s32 v8, v48;
	v54 =	vadd.s32 v12, v54;
	v39 =	vshrl.u32 v63, $0x3;
	v50 =	vld [tilespmem:s14+$0xFFFFFE80];
	[tilespmem:v62+s17+$0x0] =	vst.idx.msk $0xffff, v61;
	s6 =	sand.u32 $0x7F, s6;
	s18 =	sand.u32 $0x3FFC00, s22;
	s22 =	simm.s32 $0xE  }
0x137: {  	s15 =	simm.s32 $0x10;
	v48 =	vshll.u32 v39, v1;
	v51 =	vld [tilespmem:s14+$0xFFFFFEC0];
	[tilespmem:v58+s17+$0x0] =	vst.idx.msk $0xffff, v57;
	v38 =	vmov s21;
	s6 =	sor.u32 s6, s18;
	v39 =	vmov s22;
	s18 =	simm.s32 $0xF  }
.LBB2_5:
0x138: {  	p0 =	slt.u32 s15, $0x78;
	v46 =	vshrl.u32 v46, $0x3;
	v55 =	vmov s18;
	v56 =	vld [tilespmem:s14+$0xFFFFFF00];
	v35 =	vadd.s32 v16, v35;
	[tilespmem:v42+s17+$0x0] =	vst.idx.msk $0xffff, v40  }
0x139: {  	v40 =	vshrl.u32 v49, $0x3;
	v34 =	vadd.s32 v20, v34;
	v42 =	vshrl.u32 v55, $0x3;
	v49 =	vld [tilespmem:s14+$0xFFFFFF40];
	[tilespmem:v45+s17+$0x0] =	vst.idx.msk $0xffff, v41  }
0x13a: {  	v37 =	vadd.s32 v24, v37;
	v41 =	vshrl.u32 v43, $0x3;
	v42 =	vshll.u32 v42, v1;
	[tilespmem:v52+s17+$0x0] =	vst.idx.msk $0xffff, v47;
	v43 =	vld [tilespmem:s14+$0xFFFFFF80]  }
0x13b: {  	v44 =	vshrl.u32 v44, $0x3;
	v36 =	vadd.s32 v28, v36;
	v42 =	vbroadcast v42, $0x0;
	[tilespmem:v53+s17+$0x0] =	vst.idx.msk $0xffff, v50;
	v45 =	vld [tilespmem:s14+$0xFFFFFFC0]  }
0x13c: {  	v46 =	vshll.u32 v46, v1;
	v50 =	vadd.s32 v4, v33;
	v33 =	vbroadcast v48, $0x0;
	v47 =	vld [tilespmem:s14+$0xFFFFFE40];
	[tilespmem:v54+s17+$0x0] =	vst.idx.msk $0xffff, v51;
	s14 =	sadd.s32 $0x200, s14  }
0x13d: {  	v40 =	vshll.u32 v40, v1;
	v48 =	vbroadcast v46, $0x0;
	v46 =	vld [tilespmem:s14+$0xFFFFFFD0];
	v51 =	vadd.s32 v29, v42;
	[tilespmem:v35+s17+$0x0] =	vst.idx.msk $0xffff, v56  }
0x13e: {  	v54 =	vbroadcast v40, $0x0;
	v53 =	vadd.s32 v0, v33;
	v35 =	vshll.u32 v41, v1;
	v52 =	vld [tilespmem:s14+$0xFFFFFE10];
	[tilespmem:v34+s17+$0x0] =	vst.idx.msk $0xffff, v49  }
0x13f: {  	v41 =	vadd.s32 v5, v48;
	v35 =	vbroadcast v35, $0x0;
	v34 =	vshll.u32 v44, v1;
	v40 =	vld [tilespmem:s14+$0xFFFFFE50];
	[tilespmem:v37+s17+$0x0] =	vst.idx.msk $0xffff, v43  }
0x140: {  	v44 =	vadd.s32 v9, v54;
	v34 =	vbroadcast v34, $0x0;
	v37 =	vshrl.u32 v38, $0x3;
	v43 =	vld [tilespmem:s14+$0xFFFFFE90];
	[tilespmem:v36+s17+$0x0] =	vst.idx.msk $0xffff, v45  }
0x141: {  	v39 =	vshrl.u32 v39, $0x3;
	v45 =	vadd.s32 v13, v35;
	v36 =	vshll.u32 v37, v1;
	v38 =	vld [tilespmem:s14+$0xFFFFFED0];
	[tilespmem:v50+s17+$0x0] =	vst.idx.msk $0xffff, v47  }
0x142: {  	v49 =	vadd.s32 v17, v34;
	v37 =	vbroadcast v36, $0x0;
	v36 =	vshll.u32 v39, v1;
	v47 =	vld [tilespmem:s14+$0xFFFFFF10];
	[tilespmem:v51+s17+$0x0] =	vst.idx.msk $0xffff, v46  }
0x143: {  	v36 =	vbroadcast v36, $0x0;
	v46 =	vadd.s32 v30, v42;
	[tilespmem:v53+s17+$0x0] =	vst.idx.msk $0xffff, v52;
	v39 =	vld [tilespmem:s14+$0xFFFFFFE0]  }
0x144: {  	[tilespmem:v41+s17+$0x0] =	vst.idx.msk $0xffff, v40;
	v40 =	vld [tilespmem:s14+$0xFFFFFF50];
	v41 =	vadd.s32 v21, v37  }
0x145: {  	[tilespmem:v44+s17+$0x0] =	vst.idx.msk $0xffff, v43;
	v43 =	vld [tilespmem:s14+$0xFFFFFF90];
	v44 =	vadd.s32 v25, v36  }
0x146: {  	v51 =	vadd.s32 v6, v48;
	v50 =	vld [tilespmem:s14+$0xFFFFFE60];
	[tilespmem:v45+s17+$0x0] =	vst.idx.msk $0xffff, v38  }
0x147: {  	v45 =	vadd.s32 v10, v54;
	v38 =	vld [tilespmem:s14+$0xFFFFFEA0];
	[tilespmem:v49+s17+$0x0] =	vst.idx.msk $0xffff, v47  }
0x148: {  	v49 =	vadd.s32 v14, v35;
	v47 =	vld [tilespmem:s14+$0xFFFFFEE0];
	[tilespmem:v46+s17+$0x0] =	vst.idx.msk $0xffff, v39  }
0x149: {  	[tilespmem:v41+s17+$0x0] =	vst.idx.msk $0xffff, v40;
	v39 =	vld [tilespmem:s14+$0xFFFFFFF0];
	v40 =	vadd.s32 v31, v42  }
0x14a: {  	v46 =	vadd.s32 v18, v34;
	v41 =	vld [tilespmem:s14+$0xFFFFFF20];
	[tilespmem:v44+s17+$0x0] =	vst.idx.msk $0xffff, v43  }
0x14b: {  	v44 =	vadd.s32 v22, v37;
	[tilespmem:v51+s17+$0x0] =	vst.idx.msk $0xffff, v50;
	v43 =	vld [tilespmem:s14+$0xFFFFFF60]  }
0x14c: {  	[tilespmem:v45+s17+$0x0] =	vst.idx.msk $0xffff, v38;
	v38 =	vld [tilespmem:s14+$0xFFFFFFA0];
	v45 =	vadd.s32 v26, v36  }
0x14d: {  	v51 =	vadd.s32 v2, v33;
	v50 =	vld [tilespmem:s14+$0xFFFFFE20];
	[tilespmem:v49+s17+$0x0] =	vst.idx.msk $0xffff, v47  }
0x14e: {  	v49 =	vadd.s32 v7, v48;
	v47 =	vld [tilespmem:s14+$0xFFFFFE70];
	[tilespmem:v40+s17+$0x0] =	vst.idx.msk $0xffff, v39  }
0x14f: {  	v52 =	vadd.s32 v32, v42;
	[tilespmem:v46+s17+$0x0] =	vst.idx.msk $0xffff, v41;
	v39 =	vld [tilespmem:s14+$0x0]  }
0x150: {  	v55 =	vadd.s32 v11, v54;
	v53 =	vld [tilespmem:s14+$0xFFFFFEB0];
	[tilespmem:v44+s17+$0x0] =	vst.idx.msk $0xffff, v43  }
0x151: {  	v57 =	vadd.s32 v15, v35;
	v56 =	vld [tilespmem:s14+$0xFFFFFEF0];
	[tilespmem:v45+s17+$0x0] =	vst.idx.msk $0xffff, v38  }
0x152: {  	v59 =	vadd.s32 v19, v34;
	[tilespmem:v51+s17+$0x0] =	vst.idx.msk $0xffff, v50;
	v58 =	vld [tilespmem:s14+$0xFFFFFF30]  }
.Ltmp3:
0x153: {  	s18 =	sadd.s32 $0x1, s15;
	v42 =	vadd.s32 v23, v37;
	v38 =	vmov s15;
	[tilespmem:v49+s17+$0x0] =	vst.idx.msk $0xffff, v47;
	v40 =	vld [tilespmem:s14+$0xFFFFFF70];
	(pc) =	sbr.rel @p0 .LBB2_5-.Ltmp3, $4  }
0x154: {  	s21 =	sadd.s32 $0x3, s15;
	v46 =	vmov s18;
	s18 =	sadd.s32 $0x2, s15;
	v45 =	vadd.s32 v27, v36;
	v51 =	vshrl.u32 v38, $0x3;
	v41 =	vld [tilespmem:s14+$0xFFFFFFB0];
	[tilespmem:v52+s17+$0x0] =	vst.idx.msk $0xffff, v39  }
0x155: {  	v43 =	vmov s21;
	s21 =	sadd.s32 $0x5, s15;
	v49 =	vmov s18;
	s18 =	sadd.s32 $0x4, s15;
	v52 =	vadd.s32 v3, v33;
	v47 =	vld [tilespmem:s14+$0xFFFFFE30];
	[tilespmem:v55+s17+$0x0] =	vst.idx.msk $0xffff, v53  }
0x156: {  	v38 =	vmov s21;
	v44 =	vmov s18;
	s18 =	sadd.s32 $0x6, s15;
	v53 =	vadd.s32 v8, v48;
	v50 =	vld [tilespmem:s14+$0xFFFFFE80];
	[tilespmem:v57+s17+$0x0] =	vst.idx.msk $0xffff, v56  }
0x157: {  	v54 =	vadd.s32 v12, v54;
	v48 =	vshll.u32 v51, v1;
	v39 =	vmov s18;
	s18 =	sadd.s32 $0x7, s15;
	s15 =	sadd.s32 $0x8, s15;
	v51 =	vld [tilespmem:s14+$0xFFFFFEC0];
	[tilespmem:v59+s17+$0x0] =	vst.idx.msk $0xffff, v58  }
0x158: {  	_ =	sdelay $0x2  }
0x159: {  	v46 =	vshrl.u32 v46, $0x3  }
0x15a: {  	v55 =	vmov s18;
	v56 =	vld [tilespmem:s14+$0xFFFFFF00];
	v35 =	vadd.s32 v16, v35;
	[tilespmem:v42+s17+$0x0] =	vst.idx.msk $0xffff, v40;
	v58 =	vshrl.u32 v49, $0x3  }
0x15b: {  	v60 =	vld [tilespmem:s14+$0xFFFFFF40];
	v34 =	vadd.s32 v20, v34;
	v61 =	vshrl.u32 v43, $0x3;
	v59 =	vshrl.u32 v55, $0x3;
	[tilespmem:v45+s17+$0x0] =	vst.idx.msk $0xffff, v41  }
0x15c: {  	v37 =	vadd.s32 v24, v37;
	v44 =	vshrl.u32 v44, $0x3;
	v62 =	vld [tilespmem:s14+$0xFFFFFF80];
	v42 =	vshll.u32 v59, v1;
	[tilespmem:v52+s17+$0x0] =	vst.idx.msk $0xffff, v47  }
0x15d: {  	v36 =	vadd.s32 v28, v36;
	v33 =	vadd.s32 v4, v33;
	v45 =	vld [tilespmem:s14+$0xFFFFFFC0];
	v42 =	vbroadcast v42, $0x0;
	[tilespmem:v53+s17+$0x0] =	vst.idx.msk $0xffff, v50  }
0x15e: {  	s21 =	sadd.s32 $0x200, s14;
	v38 =	vshrl.u32 v38, $0x3;
	v46 =	vshll.u32 v46, v1;
	v47 =	vbroadcast v48, $0x0;
	v63 =	vld [tilespmem:s14+$0xFFFFFE40];
	[tilespmem:v54+s17+$0x0] =	vst.idx.msk $0xffff, v51  }
0x15f: {  	v40 =	vshll.u32 v58, v1;
	v46 =	vbroadcast v46, $0x0;
	v50 =	vld [tilespmem:s21+$0xFFFFFFD0];
	v51 =	vadd.s32 v29, v42;
	[tilespmem:v35+s17+$0x0] =	vst.idx.msk $0xffff, v56  }
0x160: {  	v41 =	vshll.u32 v61, v1;
	v40 =	vbroadcast v40, $0x0;
	v35 =	vld [tilespmem:s21+$0xFFFFFE10];
	v56 =	vadd.s32 v0, v47;
	[tilespmem:v34+s17+$0x0] =	vst.idx.msk $0xffff, v60  }
0x161: {  	v57 =	vld [tilespmem:s21+$0xFFFFFE50];
	v44 =	vshll.u32 v44, v1;
	v41 =	vbroadcast v41, $0x0;
	v58 =	vadd.s32 v5, v46;
	[tilespmem:v37+s17+$0x0] =	vst.idx.msk $0xffff, v62  }
0x162: {  	v38 =	vshll.u32 v38, v1;
	v59 =	vld [tilespmem:s21+$0xFFFFFE90];
	v44 =	vbroadcast v44, $0x0;
	v60 =	vadd.s32 v9, v40;
	[tilespmem:v36+s17+$0x0] =	vst.idx.msk $0xffff, v45  }
0x163: {  	v61 =	vld [tilespmem:s21+$0xFFFFFED0];
	v38 =	vbroadcast v38, $0x0;
	v62 =	vadd.s32 v13, v41;
	[tilespmem:v33+s17+$0x0] =	vst.idx.msk $0xffff, v63  }
0x164: {  	v39 =	vshrl.u32 v39, $0x3;
	v33 =	vld [tilespmem:s21+$0xFFFFFF10];
	v63 =	vadd.s32 v17, v44;
	[tilespmem:v51+s17+$0x0] =	vst.idx.msk $0xffff, v50  }
0x165: {  	v39 =	vshll.u32 v39, v1;
	v34 =	vld [tilespmem:s21+$0xFFFFFF50];
	[tilespmem:v56+s17+$0x0] =	vst.idx.msk $0xffff, v35;
	v56 =	vadd.s32 v21, v38  }
0x166: {  	[tilespmem:v58+s17+$0x0] =	vst.idx.msk $0xffff, v57;
	v35 =	vbroadcast v39, $0x0;
	v50 =	vadd.s32 v30, v42;
	v39 =	vld [tilespmem:s21+$0xFFFFFFE0]  }
0x167: {  	[tilespmem:v60+s17+$0x0] =	vst.idx.msk $0xffff, v59;
	v59 =	vld [tilespmem:s21+$0xFFFFFE60];
	v60 =	vadd.s32 v6, v46  }
0x168: {  	v57 =	vld [tilespmem:s21+$0xFFFFFF90];
	[tilespmem:v62+s17+$0x0] =	vst.idx.msk $0xffff, v61;
	v58 =	vadd.s32 v25, v35  }
0x169: {  	v61 =	vld [tilespmem:s21+$0xFFFFFEA0];
	v62 =	vadd.s32 v10, v40;
	[tilespmem:v63+s17+$0x0] =	vst.idx.msk $0xffff, v33  }
0x16a: {  	v33 =	vld [tilespmem:s21+$0xFFFFFEE0];
	v63 =	vadd.s32 v14, v41;
	[tilespmem:v56+s17+$0x0] =	vst.idx.msk $0xffff, v34  }
0x16b: {  	v49 =	vld [tilespmem:s21+$0xFFFFFF20];
	v56 =	vadd.s32 v18, v44;
	[tilespmem:v50+s17+$0x0] =	vst.idx.msk $0xffff, v39  }
0x16c: {  	[tilespmem:v60+s17+$0x0] =	vst.idx.msk $0xffff, v59;
	v39 =	vadd.s32 v31, v42;
	v34 =	vld [tilespmem:s21+$0xFFFFFFF0]  }
0x16d: {  	[tilespmem:v58+s17+$0x0] =	vst.idx.msk $0xffff, v57;
	v57 =	vld [tilespmem:s21+$0xFFFFFF60];
	v58 =	vadd.s32 v22, v38  }
0x16e: {  	[tilespmem:v62+s17+$0x0] =	vst.idx.msk $0xffff, v61;
	v61 =	vld [tilespmem:s21+$0xFFFFFE20];
	v62 =	vadd.s32 v2, v47  }
0x16f: {  	v60 =	vadd.s32 v26, v35;
	v59 =	vld [tilespmem:s21+$0xFFFFFFA0];
	[tilespmem:v63+s17+$0x0] =	vst.idx.msk $0xffff, v33  }
0x170: {  	v55 =	vadd.s32 v11, v40;
	v54 =	vadd.s32 v32, v42;
	v42 =	vld [tilespmem:s21+$0xFFFFFEB0];
	[tilespmem:v56+s17+$0x0] =	vst.idx.msk $0xffff, v49  }
0x171: {  	v53 =	vadd.s32 v7, v46;
	v63 =	vld [tilespmem:s21+$0xFFFFFE70];
	[tilespmem:v39+s17+$0x0] =	vst.idx.msk $0xffff, v34  }
0x172: {  	v56 =	vld [tilespmem:s21+$0xFFFFFEF0];
	[tilespmem:v58+s17+$0x0] =	vst.idx.msk $0xffff, v57;
	v57 =	vadd.s32 v15, v41  }
0x173: {  	[tilespmem:v62+s17+$0x0] =	vst.idx.msk $0xffff, v61;
	v34 =	vld [tilespmem:s21+$0x0]  }
0x174: {  	v58 =	vld [tilespmem:s21+$0xFFFFFF30];
	[tilespmem:v60+s17+$0x0] =	vst.idx.msk $0xffff, v59;
	v59 =	vadd.s32 v19, v44  }
0x175: {  	v61 =	vadd.s32 v23, v38;
	[tilespmem:v55+s17+$0x0] =	vst.idx.msk $0xffff, v42;
	v60 =	vld [tilespmem:s21+$0xFFFFFF70]  }
0x176: {  	[tilespmem:v53+s17+$0x0] =	vst.idx.msk $0xffff, v63;
	v63 =	vadd.s32 v27, v35;
	v62 =	vld [tilespmem:s21+$0xFFFFFFB0]  }
0x177: {  	v46 =	vadd.s32 v8, v46;
	v55 =	vld [tilespmem:s21+$0xFFFFFE80];
	[tilespmem:v57+s17+$0x0] =	vst.idx.msk $0xffff, v56  }
0x178: {  	v53 =	vld [tilespmem:s21+$0xFFFFFE30];
	[tilespmem:v54+s17+$0x0] =	vst.idx.msk $0xffff, v34;
	v54 =	vadd.s32 v3, v47  }
0x179: {  	v40 =	vadd.s32 v12, v40;
	v56 =	vld [tilespmem:s21+$0xFFFFFEC0];
	[tilespmem:v59+s17+$0x0] =	vst.idx.msk $0xffff, v58  }
0x17a: {  	v41 =	vadd.s32 v16, v41;
	v57 =	vld [tilespmem:s21+$0xFFFFFF00];
	[tilespmem:v61+s17+$0x0] =	vst.idx.msk $0xffff, v60  }
0x17b: {  	v59 =	vadd.s32 v20, v44;
	v58 =	vld [tilespmem:s21+$0xFFFFFF40];
	[tilespmem:v63+s17+$0x0] =	vst.idx.msk $0xffff, v62  }
0x17c: {  	v38 =	vadd.s32 v24, v38;
	v60 =	vld [tilespmem:s21+$0xFFFFFF80];
	[tilespmem:v46+s17+$0x0] =	vst.idx.msk $0xffff, v55  }
0x17d: {  	v35 =	vadd.s32 v28, v35;
	v61 =	vld [tilespmem:s21+$0xFFFFFFC0];
	[tilespmem:v54+s17+$0x0] =	vst.idx.msk $0xffff, v53  }
0x17e: {  	v63 =	vadd.s32 v4, v47;
	[tilespmem:v40+s17+$0x0] =	vst.idx.msk $0xffff, v56;
	v62 =	vld [tilespmem:s21+$0xFFFFFE40]  }
0x17f: {  	[tilespmem:v41+s17+$0x0] =	vst.idx.msk $0xffff, v57  }
0x180: {  	[tilespmem:v59+s17+$0x0] =	vst.idx.msk $0xffff, v58  }
0x181: {  	[tilespmem:v38+s17+$0x0] =	vst.idx.msk $0xffff, v60  }
0x182: {  	s6 =	sshll.u32 s6, $0x7;
	[tilespmem:v35+s17+$0x0] =	vst.idx.msk $0xffff, v61  }
0x183: {  	s14 =	sadd.s32 s2, s6;
	[tilespmem:v63+s17+$0x0] =	vst.idx.msk $0xffff, v62  }
0x184: {  	[hbm4b:s14+s3] =	stream.linear.scatter [tilespmem:s17], [sflag:$0x4], $0x80, $0x38;
	[tilespmem:$0xE800] =	vst v63  }
0x185: {  	s22 =	simm.s32 $0xC688;
	s15 =	sadd.s32 $0x10, s14  }
0x186: {  	[hbm4b:s15+s3] =	stream.linear.scatter [tilespmem:s22], [sflag:$0x4], $0x80, $0x38;
	[tilespmem:$0xE800] =	vst v63  }
0x187: {  	s21 =	sadd.s32 $0x20, s14;
	s22 =	simm.s32 $0xC710  }
0x188: {  	[hbm4b:s21+s3] =	stream.linear.scatter [tilespmem:s22], [sflag:$0x4], $0x80, $0x38;
	[tilespmem:$0xE800] =	vst v63  }
0x189: {  	s21 =	sadd.s32 $0x30, s14;
	s22 =	simm.s32 $0xC798  }
0x18a: {  	[hbm4b:s21+s3] =	stream.linear.scatter [tilespmem:s22], [sflag:$0x4], $0x80, $0x38;
	[tilespmem:$0xE800] =	vst v63  }
0x18b: {  	s21 =	sadd.s32 $0x40, s14;
	s22 =	simm.s32 $0xC820  }
0x18c: {  	[hbm4b:s21+s3] =	stream.linear.scatter [tilespmem:s22], [sflag:$0x4], $0x80, $0x38;
	[tilespmem:$0xE800] =	vst v63  }
0x18d: {  	s21 =	sadd.s32 $0x50, s14;
	s22 =	simm.s32 $0xC8A8  }
0x18e: {  	[hbm4b:s21+s3] =	stream.linear.scatter [tilespmem:s22], [sflag:$0x4], $0x80, $0x38;
	[tilespmem:$0xE800] =	vst v63  }
0x18f: {  	s18 =	sadd.s32 $0x60, s14;
	s21 =	simm.s32 $0xC930  }
0x190: {  	[hbm4b:s18+s3] =	stream.linear.scatter [tilespmem:s21], [sflag:$0x4], $0x80, $0x38;
	[tilespmem:$0xE800] =	vst v63  }
0x191: {  	s14 =	sadd.s32 $0x70, s14;
	s22 =	simm.s32 $0xC9B8  }
0x192: {  	[hbm4b:s14+s3] =	stream.linear.scatter [tilespmem:s22], [sflag:$0x4], $0x80, $0x38;
	[tilespmem:$0xE800] =	vst v63  }
0x193: {  	s18 =	simm.s32 $0xCA40;
	s14 =	sadd.s32 s6, s7  }
0x194: {  	[hbm4b:s14+s3] =	stream.linear.scatter [tilespmem:s18], [sflag:$0x4], $0x80, $0x38;
	[tilespmem:$0xE800] =	vst v63  }
0x195: {  	s22 =	simm.s32 $0xCAC8;
	s21 =	sadd.s32 $0x10, s14  }
0x196: {  	[hbm4b:s21+s3] =	stream.linear.scatter [tilespmem:s22], [sflag:$0x4], $0x80, $0x38;
	[tilespmem:$0xE800] =	vst v63  }
0x197: {  	s21 =	sadd.s32 $0x20, s14;
	s22 =	simm.s32 $0xCB50  }
0x198: {  	[hbm4b:s21+s3] =	stream.linear.scatter [tilespmem:s22], [sflag:$0x4], $0x80, $0x38;
	[tilespmem:$0xE800] =	vst v63  }
0x199: {  	s21 =	sadd.s32 $0x30, s14;
	s22 =	simm.s32 $0xCBD8  }
0x19a: {  	[hbm4b:s21+s3] =	stream.linear.scatter [tilespmem:s22], [sflag:$0x4], $0x80, $0x38;
	[tilespmem:$0xE800] =	vst v63  }
0x19b: {  	s21 =	sadd.s32 $0x40, s14;
	s22 =	simm.s32 $0xCC60  }
0x19c: {  	[hbm4b:s21+s3] =	stream.linear.scatter [tilespmem:s22], [sflag:$0x4], $0x80, $0x38;
	[tilespmem:$0xE800] =	vst v63  }
0x19d: {  	s21 =	sadd.s32 $0x50, s14;
	s22 =	simm.s32 $0xCCE8  }
0x19e: {  	[hbm4b:s21+s3] =	stream.linear.scatter [tilespmem:s22], [sflag:$0x4], $0x80, $0x38;
	[tilespmem:$0xE800] =	vst v63  }
0x19f: {  	s18 =	sadd.s32 $0x60, s14;
	s21 =	simm.s32 $0xCD70  }
0x1a0: {  	[hbm4b:s18+s3] =	stream.linear.scatter [tilespmem:s21], [sflag:$0x4], $0x80, $0x38;
	[tilespmem:$0xE800] =	vst v63  }
0x1a1: {  	s14 =	sadd.s32 $0x70, s14;
	s22 =	simm.s32 $0xCDF8  }
0x1a2: {  	[hbm4b:s14+s3] =	stream.linear.scatter [tilespmem:s22], [sflag:$0x4], $0x80, $0x38;
	[tilespmem:$0xE800] =	vst v63  }
0x1a3: {  	s18 =	simm.s32 $0xCE80;
	s14 =	sadd.s32 s6, s8  }
0x1a4: {  	[hbm4b:s14+s3] =	stream.linear.scatter [tilespmem:s18], [sflag:$0x4], $0x80, $0x38;
	[tilespmem:$0xE800] =	vst v63  }
0x1a5: {  	s22 =	simm.s32 $0xCF08;
	s21 =	sadd.s32 $0x10, s14  }
0x1a6: {  	[hbm4b:s21+s3] =	stream.linear.scatter [tilespmem:s22], [sflag:$0x4], $0x80, $0x38;
	[tilespmem:$0xE800] =	vst v63  }
0x1a7: {  	s21 =	sadd.s32 $0x20, s14;
	s22 =	simm.s32 $0xCF90  }
0x1a8: {  	[hbm4b:s21+s3] =	stream.linear.scatter [tilespmem:s22], [sflag:$0x4], $0x80, $0x38;
	[tilespmem:$0xE800] =	vst v63  }
0x1a9: {  	s21 =	sadd.s32 $0x30, s14;
	s22 =	simm.s32 $0xD018  }
0x1aa: {  	[hbm4b:s21+s3] =	stream.linear.scatter [tilespmem:s22], [sflag:$0x4], $0x80, $0x38;
	[tilespmem:$0xE800] =	vst v63  }
0x1ab: {  	s21 =	sadd.s32 $0x40, s14;
	s22 =	simm.s32 $0xD0A0  }
0x1ac: {  	[hbm4b:s21+s3] =	stream.linear.scatter [tilespmem:s22], [sflag:$0x4], $0x80, $0x38;
	[tilespmem:$0xE800] =	vst v63  }
0x1ad: {  	s21 =	sadd.s32 $0x50, s14;
	s22 =	simm.s32 $0xD128  }
0x1ae: {  	[hbm4b:s21+s3] =	stream.linear.scatter [tilespmem:s22], [sflag:$0x4], $0x80, $0x38;
	[tilespmem:$0xE800] =	vst v63  }
0x1af: {  	s18 =	sadd.s32 $0x60, s14;
	s21 =	simm.s32 $0xD1B0  }
0x1b0: {  	[hbm4b:s18+s3] =	stream.linear.scatter [tilespmem:s21], [sflag:$0x4], $0x80, $0x38;
	[tilespmem:$0xE800] =	vst v63  }
0x1b1: {  	s14 =	sadd.s32 $0x70, s14;
	s22 =	simm.s32 $0xD238  }
0x1b2: {  	[hbm4b:s14+s3] =	stream.linear.scatter [tilespmem:s22], [sflag:$0x4], $0x80, $0x38;
	[tilespmem:$0xE800] =	vst v63  }
0x1b3: {  	s18 =	simm.s32 $0xD2C0;
	s14 =	sadd.s32 s6, s9  }
0x1b4: {  	[hbm4b:s14+s3] =	stream.linear.scatter [tilespmem:s18], [sflag:$0x4], $0x80, $0x38;
	[tilespmem:$0xE800] =	vst v63  }
0x1b5: {  	s22 =	simm.s32 $0xD348;
	s21 =	sadd.s32 $0x10, s14  }
0x1b6: {  	[hbm4b:s21+s3] =	stream.linear.scatter [tilespmem:s22], [sflag:$0x4], $0x80, $0x38;
	[tilespmem:$0xE800] =	vst v63  }
0x1b7: {  	s21 =	sadd.s32 $0x20, s14;
	s22 =	simm.s32 $0xD3D0  }
0x1b8: {  	[hbm4b:s21+s3] =	stream.linear.scatter [tilespmem:s22], [sflag:$0x4], $0x80, $0x38;
	[tilespmem:$0xE800] =	vst v63  }
0x1b9: {  	s21 =	sadd.s32 $0x30, s14;
	s22 =	simm.s32 $0xD458  }
0x1ba: {  	[hbm4b:s21+s3] =	stream.linear.scatter [tilespmem:s22], [sflag:$0x4], $0x80, $0x38;
	[tilespmem:$0xE800] =	vst v63  }
0x1bb: {  	s21 =	sadd.s32 $0x40, s14;
	s22 =	simm.s32 $0xD4E0  }
0x1bc: {  	[hbm4b:s21+s3] =	stream.linear.scatter [tilespmem:s22], [sflag:$0x4], $0x80, $0x38;
	[tilespmem:$0xE800] =	vst v63  }
0x1bd: {  	s21 =	sadd.s32 $0x50, s14;
	s22 =	simm.s32 $0xD568  }
0x1be: {  	[hbm4b:s21+s3] =	stream.linear.scatter [tilespmem:s22], [sflag:$0x4], $0x80, $0x38;
	[tilespmem:$0xE800] =	vst v63  }
0x1bf: {  	s18 =	sadd.s32 $0x60, s14;
	s21 =	simm.s32 $0xD5F0  }
0x1c0: {  	[hbm4b:s18+s3] =	stream.linear.scatter [tilespmem:s21], [sflag:$0x4], $0x80, $0x38;
	[tilespmem:$0xE800] =	vst v63  }
0x1c1: {  	s14 =	sadd.s32 $0x70, s14;
	s22 =	simm.s32 $0xD678  }
0x1c2: {  	[hbm4b:s14+s3] =	stream.linear.scatter [tilespmem:s22], [sflag:$0x4], $0x80, $0x38;
	[tilespmem:$0xE800] =	vst v63  }
0x1c3: {  	s18 =	simm.s32 $0xD700;
	s14 =	sadd.s32 s6, s10  }
0x1c4: {  	[hbm4b:s14+s3] =	stream.linear.scatter [tilespmem:s18], [sflag:$0x4], $0x80, $0x38;
	[tilespmem:$0xE800] =	vst v63  }
0x1c5: {  	s22 =	simm.s32 $0xD788;
	s21 =	sadd.s32 $0x10, s14  }
0x1c6: {  	[hbm4b:s21+s3] =	stream.linear.scatter [tilespmem:s22], [sflag:$0x4], $0x80, $0x38;
	[tilespmem:$0xE800] =	vst v63  }
0x1c7: {  	s21 =	sadd.s32 $0x20, s14;
	s22 =	simm.s32 $0xD810  }
0x1c8: {  	[hbm4b:s21+s3] =	stream.linear.scatter [tilespmem:s22], [sflag:$0x4], $0x80, $0x38;
	[tilespmem:$0xE800] =	vst v63  }
0x1c9: {  	s21 =	sadd.s32 $0x30, s14;
	s22 =	simm.s32 $0xD898  }
0x1ca: {  	[hbm4b:s21+s3] =	stream.linear.scatter [tilespmem:s22], [sflag:$0x4], $0x80, $0x38;
	[tilespmem:$0xE800] =	vst v63  }
0x1cb: {  	s21 =	sadd.s32 $0x40, s14;
	s22 =	simm.s32 $0xD920  }
0x1cc: {  	[hbm4b:s21+s3] =	stream.linear.scatter [tilespmem:s22], [sflag:$0x4], $0x80, $0x38;
	[tilespmem:$0xE800] =	vst v63  }
0x1cd: {  	s21 =	sadd.s32 $0x50, s14;
	s22 =	simm.s32 $0xD9A8  }
0x1ce: {  	[hbm4b:s21+s3] =	stream.linear.scatter [tilespmem:s22], [sflag:$0x4], $0x80, $0x38;
	[tilespmem:$0xE800] =	vst v63  }
0x1cf: {  	s18 =	sadd.s32 $0x60, s14;
	s21 =	simm.s32 $0xDA30  }
0x1d0: {  	[hbm4b:s18+s3] =	stream.linear.scatter [tilespmem:s21], [sflag:$0x4], $0x80, $0x38;
	[tilespmem:$0xE800] =	vst v63  }
0x1d1: {  	s14 =	sadd.s32 $0x70, s14;
	s22 =	simm.s32 $0xDAB8  }
0x1d2: {  	[hbm4b:s14+s3] =	stream.linear.scatter [tilespmem:s22], [sflag:$0x4], $0x80, $0x38;
	[tilespmem:$0xE800] =	vst v63  }
0x1d3: {  	s18 =	simm.s32 $0xDB40;
	s14 =	sadd.s32 s6, s11  }
0x1d4: {  	[hbm4b:s14+s3] =	stream.linear.scatter [tilespmem:s18], [sflag:$0x4], $0x80, $0x38;
	[tilespmem:$0xE800] =	vst v63  }
0x1d5: {  	s22 =	simm.s32 $0xDBC8;
	s21 =	sadd.s32 $0x10, s14  }
0x1d6: {  	[hbm4b:s21+s3] =	stream.linear.scatter [tilespmem:s22], [sflag:$0x4], $0x80, $0x38;
	[tilespmem:$0xE800] =	vst v63  }
0x1d7: {  	s21 =	sadd.s32 $0x20, s14;
	s22 =	simm.s32 $0xDC50  }
0x1d8: {  	[hbm4b:s21+s3] =	stream.linear.scatter [tilespmem:s22], [sflag:$0x4], $0x80, $0x38;
	[tilespmem:$0xE800] =	vst v63  }
0x1d9: {  	s21 =	sadd.s32 $0x30, s14;
	s22 =	simm.s32 $0xDCD8  }
0x1da: {  	[hbm4b:s21+s3] =	stream.linear.scatter [tilespmem:s22], [sflag:$0x4], $0x80, $0x38;
	[tilespmem:$0xE800] =	vst v63  }
0x1db: {  	s21 =	sadd.s32 $0x40, s14;
	s22 =	simm.s32 $0xDD60  }
0x1dc: {  	[hbm4b:s21+s3] =	stream.linear.scatter [tilespmem:s22], [sflag:$0x4], $0x80, $0x38;
	[tilespmem:$0xE800] =	vst v63  }
0x1dd: {  	s21 =	sadd.s32 $0x50, s14;
	s22 =	simm.s32 $0xDDE8  }
0x1de: {  	[hbm4b:s21+s3] =	stream.linear.scatter [tilespmem:s22], [sflag:$0x4], $0x80, $0x38;
	[tilespmem:$0xE800] =	vst v63  }
0x1df: {  	s18 =	sadd.s32 $0x60, s14;
	s21 =	simm.s32 $0xDE70  }
0x1e0: {  	[hbm4b:s18+s3] =	stream.linear.scatter [tilespmem:s21], [sflag:$0x4], $0x80, $0x38;
	[tilespmem:$0xE800] =	vst v63  }
0x1e1: {  	s14 =	sadd.s32 $0x70, s14;
	s22 =	simm.s32 $0xDEF8  }
0x1e2: {  	[hbm4b:s14+s3] =	stream.linear.scatter [tilespmem:s22], [sflag:$0x4], $0x80, $0x38;
	[tilespmem:$0xE800] =	vst v63  }
0x1e3: {  	s18 =	simm.s32 $0xDF80;
	s14 =	sadd.s32 s6, s12  }
0x1e4: {  	[hbm4b:s14+s3] =	stream.linear.scatter [tilespmem:s18], [sflag:$0x4], $0x80, $0x38;
	[tilespmem:$0xE800] =	vst v63  }
0x1e5: {  	s22 =	simm.s32 $0xE008;
	s21 =	sadd.s32 $0x10, s14  }
0x1e6: {  	[hbm4b:s21+s3] =	stream.linear.scatter [tilespmem:s22], [sflag:$0x4], $0x80, $0x38;
	[tilespmem:$0xE800] =	vst v63  }
0x1e7: {  	s21 =	sadd.s32 $0x20, s14;
	s22 =	simm.s32 $0xE090  }
0x1e8: {  	[hbm4b:s21+s3] =	stream.linear.scatter [tilespmem:s22], [sflag:$0x4], $0x80, $0x38;
	[tilespmem:$0xE800] =	vst v63  }
0x1e9: {  	s21 =	sadd.s32 $0x30, s14;
	s22 =	simm.s32 $0xE118  }
0x1ea: {  	[hbm4b:s21+s3] =	stream.linear.scatter [tilespmem:s22], [sflag:$0x4], $0x80, $0x38;
	[tilespmem:$0xE800] =	vst v63  }
0x1eb: {  	s21 =	sadd.s32 $0x40, s14;
	s22 =	simm.s32 $0xE1A0  }
0x1ec: {  	[hbm4b:s21+s3] =	stream.linear.scatter [tilespmem:s22], [sflag:$0x4], $0x80, $0x38;
	[tilespmem:$0xE800] =	vst v63  }
0x1ed: {  	s21 =	sadd.s32 $0x50, s14;
	s22 =	simm.s32 $0xE228  }
0x1ee: {  	[hbm4b:s21+s3] =	stream.linear.scatter [tilespmem:s22], [sflag:$0x4], $0x80, $0x38;
	[tilespmem:$0xE800] =	vst v63  }
0x1ef: {  	s21 =	sadd.s32 $0x60, s14;
	s22 =	simm.s32 $0xE2B0  }
0x1f0: {  	[hbm4b:s21+s3] =	stream.linear.scatter [tilespmem:s22], [sflag:$0x4], $0x80, $0x38;
	[tilespmem:$0xE800] =	vst v63  }
0x1f1: {  	s18 =	simm.s32 $0xE338;
	s14 =	sadd.s32 $0x70, s14  }
0x1f2: {  	[hbm4b:s14+s3] =	stream.linear.scatter [tilespmem:s18], [sflag:$0x4], $0x80, $0x38;
	[tilespmem:$0xE800] =	vst v63  }
0x1f3: {  	s6 =	sadd.s32 s6, s13  }
0x1f4: {  	[hbm4b:s6+s3] =	stream.linear.scatter [tilespmem:s24], [sflag:$0x4], $0x80, $0x38;
	[tilespmem:$0xE800] =	vst v63  }
0x1f5: {  	s21 =	sadd.s32 $0x10, s6  }
0x1f6: {  	[hbm4b:s21+s3] =	stream.linear.scatter [tilespmem:s16], [sflag:$0x4], $0x80, $0x38;
	[tilespmem:$0xE800] =	vst v63  }
0x1f7: {  	s22 =	sadd.s32 $0x20, s6  }
0x1f8: {  	[hbm4b:s22+s3] =	stream.linear.scatter [tilespmem:s25], [sflag:$0x4], $0x80, $0x38;
	[tilespmem:$0xE800] =	vst v63  }
0x1f9: {  	s15 =	sadd.s32 $0x30, s6  }
0x1fa: {  	[hbm4b:s15+s3] =	stream.linear.scatter [tilespmem:s26], [sflag:$0x4], $0x80, $0x38;
	[tilespmem:$0xE800] =	vst v63  }
0x1fb: {  	s18 =	sadd.s32 $0x40, s6  }
0x1fc: {  	[hbm4b:s18+s3] =	stream.linear.scatter [tilespmem:s28], [sflag:$0x4], $0x80, $0x38;
	[tilespmem:$0xE800] =	vst v63  }
0x1fd: {  	s21 =	sadd.s32 $0x50, s6  }
0x1fe: {  	[hbm4b:s21+s3] =	stream.linear.scatter [tilespmem:s29], [sflag:$0x4], $0x80, $0x38;
	[tilespmem:$0xE800] =	vst v63  }
.Ltmp4:
0x1ff: {  	_ = 	snop;
	(pc) =	sbr.rel @p1 .LBB2_8-.Ltmp4, $4  }
0x200: {  	s22 =	sadd.s32 $0x60, s6  }
0x201: {  	[hbm4b:s22+s3] =	stream.linear.scatter [tilespmem:s30], [sflag:$0x4], $0x80, $0x38;
	[tilespmem:$0xE800] =	vst v63  }
0x202: {  	s6 =	sadd.s32 $0x70, s6  }
0x203: {  	[hbm4b:s6+s3] =	stream.linear.scatter [tilespmem:s31], [sflag:$0x4], $0x80, $0x38;
	[tilespmem:$0xE800] =	vst v63  }
.Ltmp5:
0x204: {  	(pc) =	sbr.rel .LBB2_2-.Ltmp5, $4  }
0x205: {  	s6 =	sshll.u32 s1, $0x8  }
0x206: {  	s6 =	sand.u32 $0x3FFFFF00, s6  }
0x207: {  	s14 =	simm.s32 $0x8400;
	s1 =	sadd.s32 $0x1, s1;
	s6 =	sadd.s32 $0x180, s6  }
0x208: {  	[tilespmem:s14], [sflag:$0x2] =	stream.indirect.gather [hbm4b:s4+s23], $0x40, s6, s23, $0xb8;
	[tilespmem:$0xE800] =	vst v63  }
.LBB2_9:
0x209: {  	_ =	sfence.sel $0x180000  }
0x20a: {  	[bflag:$0x0] =	sbarrier.arrive $0xFFFF  }
0x20b: {  	_ =	strace $0x90000047  }
0x20c: {  	s0 =	stileid.u32;
	[bflag:$0x2] =	sbarrier.arrive $0xFFFF  }
0x20d: {  	p0 =	sne.s32 s0, $0x0;
	s0 =	rddreg [dreg:$0x2]  }
0x20e: {  	s0 =	sadd.s32 @!p0 $0x100000, s0  }
0x20f: {  	[sflag:s0] =	ssyncadd.tile.s32 @!p0 $0x1;
	_ =	shalt  }
.Lfunc_end2:
_tile_overlayer_lowered:
.L_overlay_start_2:
0x210: {  	(tag) =	ssettag $0x2  }
0x211: {  	s0 =	rddreg [dreg:$0x0];
	s2 =	stileid.u32  }
0x212: {  	s1 =	rddreg [dreg:$0x1];
	p0 =	sne.s32 s2, $0x0  }
0x213: {  	s3 =	rddreg [dreg:$0x2];
	[bflag:$0x3] =	sbarrier.arrive $0xFFFF;
	s2 =	simm.s32 @!p0 $0x1C05  }
0x214: {  	[timem:s3], [sflag:s2] =	dma.local @!p0 [hbm:s0], s1  }
0x215: {  	s0 =	simm.s32 @!p0 $0x5  }
0x216: {  	_ =	swait.ge @!p0 [sflag:s0], s1  }
0x217: {  	s1 =	ssub.s32 @!p0 $0x0, s1;
	[sflag:s0] =	ssyncset.done @!p0 $0x0  }
0x218: {  	[sflag:s0] =	ssyncadd.s32 @!p0 s1  }
0x219: {  	[bflag:$0x3] =	sbarrier.arrive $0xFFFF  }
0x21a: {  	_ =	shalt  }

</sc_bundles>
